<compile_context>
chip_gen: v7x
topology: tpu7x:2x2x1
jax: 0.10.2.dev20260603
libtpu: 0.0.44.dev20260713+nightly
codegen_flags: <defaults>
</compile_context>

<pallas_src>
import jax
import jax.numpy as jnp
from jax import lax
from jax.experimental import pallas as pl
from jax.experimental.pallas import tpu as pltpu
from jax.experimental.pallas import tpu_sc as plsc

_NUM_CLASSES = 1000
_N_ROWS = 16384
_NC = 2
_NS = 16
_NW = _NC * _NS
_ROWS_PER_W = _N_ROWS // _NW
_CHUNK_ROWS = 32
_N_CHUNKS = _ROWS_PER_W // _CHUNK_ROWS
_L = 16


_NBUF = 2


def _body(x_hbm, out_hbm, idx_v, buf0, buf1, sem0, sem1):
    wid = lax.axis_index("s") * _NC + lax.axis_index("c")
    base_row = wid * _ROWS_PER_W

    zvec = jnp.zeros((_L,), jnp.int32)
    onevec = jnp.full((_L,), 1, jnp.int32)
    lane = lax.iota(jnp.int32, _L)

    pltpu.sync_copy(x_hbm.at[pl.ds(base_row, _ROWS_PER_W)], idx_v)

    def _zero_fill(buf):
        def _zero(r, carry):
            for k in range(_NUM_CLASSES // _L):
                buf[r, pl.ds(k * _L, _L)] = zvec
            buf[r, pl.ds(_NUM_CLASSES - _L, _L)] = zvec
            return carry

        lax.fori_loop(0, _CHUNK_ROWS, _zero, 0)

    _zero_fill(buf0)

    bufs = (buf0, buf1)
    sems = (sem0, sem1)
    dmas = {}
    prev_cols = {}
    for c in range(_N_CHUNKS):
        b = c % _NBUF
        buf = bufs[b]
        if c == 1:
            _zero_fill(buf1)
        if c >= _NBUF:
            dmas[b].wait()
            for v, xv_old in enumerate(prev_cols[b]):
                plsc.store_scatter(buf, [lane + v * _L, xv_old], zvec)
        cols = []
        for v in range(_CHUNK_ROWS // _L):
            xv = idx_v[pl.ds(c * _CHUNK_ROWS + v * _L, _L)]
            plsc.store_scatter(buf, [lane + v * _L, xv], onevec)
            cols.append(xv)
        prev_cols[b] = cols
        row0 = base_row + c * _CHUNK_ROWS
        dma = pltpu.make_async_copy(
            buf, out_hbm.at[pl.ds(row0, _CHUNK_ROWS), :], sems[b])
        dma.start()
        dmas[b] = dma
    for b in range(_NBUF):
        dmas[b].wait()


@jax.jit
def kernel(x):
    mesh = plsc.VectorSubcoreMesh(
        core_axis_name="c", subcore_axis_name="s",
        num_cores=_NC, num_subcores=_NS)
    return pl.kernel(
        _body,
        out_type=jax.ShapeDtypeStruct((_N_ROWS, _NUM_CLASSES), jnp.int32),
        mesh=mesh,
        scratch_types=[
            pltpu.VMEM((_ROWS_PER_W,), jnp.int32),
            pltpu.VMEM((_CHUNK_ROWS, _NUM_CLASSES), jnp.int32),
            pltpu.VMEM((_CHUNK_ROWS, _NUM_CLASSES), jnp.int32),
            pltpu.SemaphoreType.DMA,
            pltpu.SemaphoreType.DMA,
        ],
        compiler_params=pltpu.CompilerParams(needs_layout_passes=False),
    )(x)

# --- scband reference (transcript-rebuilt; emitter-appended) ---
"""Pipeline reference for scband-one-hot-encode-25512105738515 (READ-ONLY COPY).

The authoritative reference and input builder live on the scoring server;
editing this copy changes nothing except your own understanding.
"""

import jax, jax.numpy as jnp
import numpy as np

NUM_CLASSES = 1000

def setup_inputs(seed: int = 0) -> dict:
    key = jax.random.key(seed)
    x = jax.random.randint(key, (16384,), 0, NUM_CLASSES)
    return {"x": x}

def reference(x) -> jnp.ndarray:
    # Faithful translation of torch.nn.functional.one_hot(x, num_classes):
    # output is an integer tensor of shape x.shape + (num_classes,) with 1 at the index.
    oh = (x[..., None] == jnp.arange(NUM_CLASSES, dtype=x.dtype)[None, :]).astype(jnp.int32)
    return oh

if __name__ == "__main__":
    import jax
    _d = setup_inputs()
    print(jax.jit(kernel)(*tuple(_d.values())))

</pallas_src>

<mosaic_0001>
#map = affine_map<(d0, d1) -> (0)>
#map1 = affine_map<(d0, d1) -> (0, 0)>
module attributes {stable_mosaic.version = 14 : i64} {
  func.func @_body(%arg0: i32, %arg1: i32, %arg2: memref<16384xi32, #tpu.memory_space<hbm>>, %arg3: memref<16384x1000xi32, #tpu.memory_space<hbm>>, %arg4: memref<512xi32, #tpu.memory_space<vmem>>, %arg5: memref<32x1000xi32, #tpu.memory_space<vmem>>, %arg6: memref<32x1000xi32, #tpu.memory_space<vmem>>, %arg7: memref<!tpu.dma_semaphore, #tpu.memory_space<semaphore_mem>>, %arg8: memref<!tpu.dma_semaphore, #tpu.memory_space<semaphore_mem>>) attributes {dimension_semantics = [#tpu.dimension_semantics<core_parallel>, #tpu.dimension_semantics<subcore_parallel>], iteration_bounds = array<i64: 2, 16>, scalar_prefetch = 0 : i64, scratch_operands = 5 : i64, tpu.core_type = #tpu.core_type<sc_vector_subcore>, window_params = [{transform_indices = #map}, {transform_indices = #map1}]} {
    %mul3A = arith.constant 2 : i32
    %mul3A_0 = arith.muli %arg1, %mul3A : i32
    %add3A = arith.addi %mul3A_0, %arg0 : i32
    %mul3A_1 = arith.constant 512 : i32
    %mul3A_2 = arith.muli %add3A, %mul3A_1 : i32
    %broadcast_in_dim3A = arith.constant 0 : i32
    %broadcast_in_dim3A_3 = vector.broadcast %broadcast_in_dim3A : i32 to vector<16xi32>
    %broadcast_in_dim3A_4 = arith.constant 1 : i32
    %broadcast_in_dim3A_5 = vector.broadcast %broadcast_in_dim3A_4 : i32 to vector<16xi32>
    %iota3A = tpu.iota {dimensions = array<i32: 0>} : vector<16xi32>
    "tpu.region"() ({
      %run_scoped3A = tpu.sem_alloc : memref<!tpu.dma_semaphore, #tpu.memory_space<semaphore_mem>>
      %dma_start3A_418 = tpu.memref_slice %arg2[%mul3A_2] : memref<16384xi32, #tpu.memory_space<hbm>> -> memref<512xi32, #tpu.memory_space<hbm>>
      %dma_start3A_419 = tpu.memref_slice %arg2[%mul3A_2] : memref<16384xi32, #tpu.memory_space<hbm>> -> memref<512xi32, #tpu.memory_space<hbm>>
      tpu.enqueue_dma source(%dma_start3A_419 : memref<512xi32, #tpu.memory_space<hbm>>) target(%arg4 : memref<512xi32, #tpu.memory_space<vmem>>) target_semaphore(%run_scoped3A : memref<!tpu.dma_semaphore, #tpu.memory_space<semaphore_mem>>)
      %dma_wait3A_420 = tpu.memref_slice %arg2[%mul3A_2] : memref<16384xi32, #tpu.memory_space<hbm>> -> memref<512xi32, #tpu.memory_space<hbm>>
      %dma_wait3A_421 = tpu.memref_slice %arg2[%mul3A_2] : memref<16384xi32, #tpu.memory_space<hbm>> -> memref<512xi32, #tpu.memory_space<hbm>>
      tpu.wait_dma2 semaphore(%run_scoped3A : memref<!tpu.dma_semaphore, #tpu.memory_space<semaphore_mem>>) src(%dma_wait3A_421 : memref<512xi32, #tpu.memory_space<hbm>>) dst(%arg4 : memref<512xi32, #tpu.memory_space<vmem>>)
      tpu.yield
    }) : () -> ()
    %scan3A = arith.constant 0 : i32
    %scan3A_6 = arith.constant 0 : i32
    %scan3A_7 = arith.constant 32 : i32
    %scan3A_8 = arith.addi %scan3A_6, %scan3A_7 : i32
    %scan3A_9 = arith.constant 1 : i32
    scf.for %scan3A_418 = %scan3A_6 to %scan3A_8 step %scan3A_9  : i32 {
      %swap3A = arith.index_cast %scan3A_418 : i32 to index
      %swap3A_419 = arith.constant 0 : index
      %swap3A_420 = tpu.vector_load %arg5[%swap3A, %swap3A_419] {strides = array<i32>} : memref<32x1000xi32, #tpu.memory_space<vmem>>, vector<16xi32>,
      tpu.vector_store %arg5[%swap3A, %swap3A_419], %broadcast_in_dim3A_3 {strides = array<i32>} : memref<32x1000xi32, #tpu.memory_space<vmem>>, vector<16xi32>,
      %swap3A_421 = arith.index_cast %scan3A_418 : i32 to index
      %swap3A_422 = arith.constant 16 : index
      %swap3A_423 = tpu.vector_load %arg5[%swap3A_421, %swap3A_422] {strides = array<i32>} : memref<32x1000xi32, #tpu.memory_space<vmem>>, vector<16xi32>,
      tpu.vector_store %arg5[%swap3A_421, %swap3A_422], %broadcast_in_dim3A_3 {strides = array<i32>} : memref<32x1000xi32, #tpu.memory_space<vmem>>, vector<16xi32>,
      %swap3A_424 = arith.index_cast %scan3A_418 : i32 to index
      %swap3A_425 = arith.constant 32 : index
      %swap3A_426 = tpu.vector_load %arg5[%swap3A_424, %swap3A_425] {strides = array<i32>} : memref<32x1000xi32, #tpu.memory_space<vmem>>, vector<16xi32>,
      tpu.vector_store %arg5[%swap3A_424, %swap3A_425], %broadcast_in_dim3A_3 {strides = array<i32>} : memref<32x1000xi32, #tpu.memory_space<vmem>>, vector<16xi32>,
      %swap3A_427 = arith.index_cast %scan3A_418 : i32 to index
      %swap3A_428 = arith.constant 48 : index
      %swap3A_429 = tpu.vector_load %arg5[%swap3A_427, %swap3A_428] {strides = array<i32>} : memref<32x1000xi32, #tpu.memory_space<vmem>>, vector<16xi32>,
      tpu.vector_store %arg5[%swap3A_427, %swap3A_428], %broadcast_in_dim3A_3 {strides = array<i32>} : memref<32x1000xi32, #tpu.memory_space<vmem>>, vector<16xi32>,
      %swap3A_430 = arith.index_cast %scan3A_418 : i32 to index
      %swap3A_431 = arith.constant 64 : index
      %swap3A_432 = tpu.vector_load %arg5[%swap3A_430, %swap3A_431] {strides = array<i32>} : memref<32x1000xi32, #tpu.memory_space<vmem>>, vector<16xi32>,
      tpu.vector_store %arg5[%swap3A_430, %swap3A_431], %broadcast_in_dim3A_3 {strides = array<i32>} : memref<32x1000xi32, #tpu.memory_space<vmem>>, vector<16xi32>,
      %swap3A_433 = arith.index_cast %scan3A_418 : i32 to index
      %swap3A_434 = arith.constant 80 : index
      %swap3A_435 = tpu.vector_load %arg5[%swap3A_433, %swap3A_434] {strides = array<i32>} : memref<32x1000xi32, #tpu.memory_space<vmem>>, vector<16xi32>,
      tpu.vector_store %arg5[%swap3A_433, %swap3A_434], %broadcast_in_dim3A_3 {strides = array<i32>} : memref<32x1000xi32, #tpu.memory_space<vmem>>, vector<16xi32>,
      %swap3A_436 = arith.index_cast %scan3A_418 : i32 to index
      %swap3A_437 = arith.constant 96 : index
      %swap3A_438 = tpu.vector_load %arg5[%swap3A_436, %swap3A_437] {strides = array<i32>} : memref<32x1000xi32, #tpu.memory_space<vmem>>, vector<16xi32>,
      tpu.vector_store %arg5[%swap3A_436, %swap3A_437], %broadcast_in_dim3A_3 {strides = array<i32>} : memref<32x1000xi32, #tpu.memory_space<vmem>>, vector<16xi32>,
      %swap3A_439 = arith.index_cast %scan3A_418 : i32 to index
      %swap3A_440 = arith.constant 112 : index
      %swap3A_441 = tpu.vector_load %arg5[%swap3A_439, %swap3A_440] {strides = array<i32>} : memref<32x1000xi32, #tpu.memory_space<vmem>>, vector<16xi32>,
      tpu.vector_store %arg5[%swap3A_439, %swap3A_440], %broadcast_in_dim3A_3 {strides = array<i32>} : memref<32x1000xi32, #tpu.memory_space<vmem>>, vector<16xi32>,
      %swap3A_442 = arith.index_cast %scan3A_418 : i32 to index
      %swap3A_443 = arith.constant 128 : index
      %swap3A_444 = tpu.vector_load %arg5[%swap3A_442, %swap3A_443] {strides = array<i32>} : memref<32x1000xi32, #tpu.memory_space<vmem>>, vector<16xi32>,
      tpu.vector_store %arg5[%swap3A_442, %swap3A_443], %broadcast_in_dim3A_3 {strides = array<i32>} : memref<32x1000xi32, #tpu.memory_space<vmem>>, vector<16xi32>,
      %swap3A_445 = arith.index_cast %scan3A_418 : i32 to index
      %swap3A_446 = arith.constant 144 : index
      %swap3A_447 = tpu.vector_load %arg5[%swap3A_445, %swap3A_446] {strides = array<i32>} : memref<32x1000xi32, #tpu.memory_space<vmem>>, vector<16xi32>,
      tpu.vector_store %arg5[%swap3A_445, %swap3A_446], %broadcast_in_dim3A_3 {strides = array<i32>} : memref<32x1000xi32, #tpu.memory_space<vmem>>, vector<16xi32>,
      %swap3A_448 = arith.index_cast %scan3A_418 : i32 to index
      %swap3A_449 = arith.constant 160 : index
      %swap3A_450 = tpu.vector_load %arg5[%swap3A_448, %swap3A_449] {strides = array<i32>} : memref<32x1000xi32, #tpu.memory_space<vmem>>, vector<16xi32>,
      tpu.vector_store %arg5[%swap3A_448, %swap3A_449], %broadcast_in_dim3A_3 {strides = array<i32>} : memref<32x1000xi32, #tpu.memory_space<vmem>>, vector<16xi32>,
      %swap3A_451 = arith.index_cast %scan3A_418 : i32 to index
      %swap3A_452 = arith.constant 176 : index
      %swap3A_453 = tpu.vector_load %arg5[%swap3A_451, %swap3A_452] {strides = array<i32>} : memref<32x1000xi32, #tpu.memory_space<vmem>>, vector<16xi32>,
      tpu.vector_store %arg5[%swap3A_451, %swap3A_452], %broadcast_in_dim3A_3 {strides = array<i32>} : memref<32x1000xi32, #tpu.memory_space<vmem>>, vector<16xi32>,
      %swap3A_454 = arith.index_cast %scan3A_418 : i32 to index
      %swap3A_455 = arith.constant 192 : index
      %swap3A_456 = tpu.vector_load %arg5[%swap3A_454, %swap3A_455] {strides = array<i32>} : memref<32x1000xi32, #tpu.memory_space<vmem>>, vector<16xi32>,
      tpu.vector_store %arg5[%swap3A_454, %swap3A_455], %broadcast_in_dim3A_3 {strides = array<i32>} : memref<32x1000xi32, #tpu.memory_space<vmem>>, vector<16xi32>,
      %swap3A_457 = arith.index_cast %scan3A_418 : i32 to index
      %swap3A_458 = arith.constant 208 : index
      %swap3A_459 = tpu.vector_load %arg5[%swap3A_457, %swap3A_458] {strides = array<i32>} : memref<32x1000xi32, #tpu.memory_space<vmem>>, vector<16xi32>,
      tpu.vector_store %arg5[%swap3A_457, %swap3A_458], %broadcast_in_dim3A_3 {strides = array<i32>} : memref<32x1000xi32, #tpu.memory_space<vmem>>, vector<16xi32>,
      %swap3A_460 = arith.index_cast %scan3A_418 : i32 to index
      %swap3A_461 = arith.constant 224 : index
      %swap3A_462 = tpu.vector_load %arg5[%swap3A_460, %swap3A_461] {strides = array<i32>} : memref<32x1000xi32, #tpu.memory_space<vmem>>, vector<16xi32>,
      tpu.vector_store %arg5[%swap3A_460, %swap3A_461], %broadcast_in_dim3A_3 {strides = array<i32>} : memref<32x1000xi32, #tpu.memory_space<vmem>>, vector<16xi32>,
      %swap3A_463 = arith.index_cast %scan3A_418 : i32 to index
      %swap3A_464 = arith.constant 240 : index
      %swap3A_465 = tpu.vector_load %arg5[%swap3A_463, %swap3A_464] {strides = array<i32>} : memref<32x1000xi32, #tpu.memory_space<vmem>>, vector<16xi32>,
      tpu.vector_store %arg5[%swap3A_463, %swap3A_464], %broadcast_in_dim3A_3 {strides = array<i32>} : memref<32x1000xi32, #tpu.memory_space<vmem>>, vector<16xi32>,
      %swap3A_466 = arith.index_cast %scan3A_418 : i32 to index
      %swap3A_467 = arith.constant 256 : index
      %swap3A_468 = tpu.vector_load %arg5[%swap3A_466, %swap3A_467] {strides = array<i32>} : memref<32x1000xi32, #tpu.memory_space<vmem>>, vector<16xi32>,
      tpu.vector_store %arg5[%swap3A_466, %swap3A_467], %broadcast_in_dim3A_3 {strides = array<i32>} : memref<32x1000xi32, #tpu.memory_space<vmem>>, vector<16xi32>,
      %swap3A_469 = arith.index_cast %scan3A_418 : i32 to index
      %swap3A_470 = arith.constant 272 : index
      %swap3A_471 = tpu.vector_load %arg5[%swap3A_469, %swap3A_470] {strides = array<i32>} : memref<32x1000xi32, #tpu.memory_space<vmem>>, vector<16xi32>,
      tpu.vector_store %arg5[%swap3A_469, %swap3A_470], %broadcast_in_dim3A_3 {strides = array<i32>} : memref<32x1000xi32, #tpu.memory_space<vmem>>, vector<16xi32>,
      %swap3A_472 = arith.index_cast %scan3A_418 : i32 to index
      %swap3A_473 = arith.constant 288 : index
      %swap3A_474 = tpu.vector_load %arg5[%swap3A_472, %swap3A_473] {strides = array<i32>} : memref<32x1000xi32, #tpu.memory_space<vmem>>, vector<16xi32>,
      tpu.vector_store %arg5[%swap3A_472, %swap3A_473], %broadcast_in_dim3A_3 {strides = array<i32>} : memref<32x1000xi32, #tpu.memory_space<vmem>>, vector<16xi32>,
      %swap3A_475 = arith.index_cast %scan3A_418 : i32 to index
      %swap3A_476 = arith.constant 304 : index
      %swap3A_477 = tpu.vector_load %arg5[%swap3A_475, %swap3A_476] {strides = array<i32>} : memref<32x1000xi32, #tpu.memory_space<vmem>>, vector<16xi32>,
      tpu.vector_store %arg5[%swap3A_475, %swap3A_476], %broadcast_in_dim3A_3 {strides = array<i32>} : memref<32x1000xi32, #tpu.memory_space<vmem>>, vector<16xi32>,
      %swap3A_478 = arith.index_cast %scan3A_418 : i32 to index
      %swap3A_479 = arith.constant 320 : index
      %swap3A_480 = tpu.vector_load %arg5[%swap3A_478, %swap3A_479] {strides = array<i32>} : memref<32x1000xi32, #tpu.memory_space<vmem>>, vector<16xi32>,
      tpu.vector_store %arg5[%swap3A_478, %swap3A_479], %broadcast_in_dim3A_3 {strides = array<i32>} : memref<32x1000xi32, #tpu.memory_space<vmem>>, vector<16xi32>,
      %swap3A_481 = arith.index_cast %scan3A_418 : i32 to index
      %swap3A_482 = arith.constant 336 : index
      %swap3A_483 = tpu.vector_load %arg5[%swap3A_481, %swap3A_482] {strides = array<i32>} : memref<32x1000xi32, #tpu.memory_space<vmem>>, vector<16xi32>,
      tpu.vector_store %arg5[%swap3A_481, %swap3A_482], %broadcast_in_dim3A_3 {strides = array<i32>} : memref<32x1000xi32, #tpu.memory_space<vmem>>, vector<16xi32>,
      %swap3A_484 = arith.index_cast %scan3A_418 : i32 to index
      %swap3A_485 = arith.constant 352 : index
      %swap3A_486 = tpu.vector_load %arg5[%swap3A_484, %swap3A_485] {strides = array<i32>} : memref<32x1000xi32, #tpu.memory_space<vmem>>, vector<16xi32>,
      tpu.vector_store %arg5[%swap3A_484, %swap3A_485], %broadcast_in_dim3A_3 {strides = array<i32>} : memref<32x1000xi32, #tpu.memory_space<vmem>>, vector<16xi32>,
      %swap3A_487 = arith.index_cast %scan3A_418 : i32 to index
      %swap3A_488 = arith.constant 368 : index
      %swap3A_489 = tpu.vector_load %arg5[%swap3A_487, %swap3A_488] {strides = array<i32>} : memref<32x1000xi32, #tpu.memory_space<vmem>>, vector<16xi32>,
      tpu.vector_store %arg5[%swap3A_487, %swap3A_488], %broadcast_in_dim3A_3 {strides = array<i32>} : memref<32x1000xi32, #tpu.memory_space<vmem>>, vector<16xi32>,
      %swap3A_490 = arith.index_cast %scan3A_418 : i32 to index
      %swap3A_491 = arith.constant 384 : index
      %swap3A_492 = tpu.vector_load %arg5[%swap3A_490, %swap3A_491] {strides = array<i32>} : memref<32x1000xi32, #tpu.memory_space<vmem>>, vector<16xi32>,
      tpu.vector_store %arg5[%swap3A_490, %swap3A_491], %broadcast_in_dim3A_3 {strides = array<i32>} : memref<32x1000xi32, #tpu.memory_space<vmem>>, vector<16xi32>,
      %swap3A_493 = arith.index_cast %scan3A_418 : i32 to index
      %swap3A_494 = arith.constant 400 : index
      %swap3A_495 = tpu.vector_load %arg5[%swap3A_493, %swap3A_494] {strides = array<i32>} : memref<32x1000xi32, #tpu.memory_space<vmem>>, vector<16xi32>,
      tpu.vector_store %arg5[%swap3A_493, %swap3A_494], %broadcast_in_dim3A_3 {strides = array<i32>} : memref<32x1000xi32, #tpu.memory_space<vmem>>, vector<16xi32>,
      %swap3A_496 = arith.index_cast %scan3A_418 : i32 to index
      %swap3A_497 = arith.constant 416 : index
      %swap3A_498 = tpu.vector_load %arg5[%swap3A_496, %swap3A_497] {strides = array<i32>} : memref<32x1000xi32, #tpu.memory_space<vmem>>, vector<16xi32>,
      tpu.vector_store %arg5[%swap3A_496, %swap3A_497], %broadcast_in_dim3A_3 {strides = array<i32>} : memref<32x1000xi32, #tpu.memory_space<vmem>>, vector<16xi32>,
      %swap3A_499 = arith.index_cast %scan3A_418 : i32 to index
      %swap3A_500 = arith.constant 432 : index
      %swap3A_501 = tpu.vector_load %arg5[%swap3A_499, %swap3A_500] {strides = array<i32>} : memref<32x1000xi32, #tpu.memory_space<vmem>>, vector<16xi32>,
      tpu.vector_store %arg5[%swap3A_499, %swap3A_500], %broadcast_in_dim3A_3 {strides = array<i32>} : memref<32x1000xi32, #tpu.memory_space<vmem>>, vector<16xi32>,
      %swap3A_502 = arith.index_cast %scan3A_418 : i32 to index
      %swap3A_503 = arith.constant 448 : index
      %swap3A_504 = tpu.vector_load %arg5[%swap3A_502, %swap3A_503] {strides = array<i32>} : memref<32x1000xi32, #tpu.memory_space<vmem>>, vector<16xi32>,
      tpu.vector_store %arg5[%swap3A_502, %swap3A_503], %broadcast_in_dim3A_3 {strides = array<i32>} : memref<32x1000xi32, #tpu.memory_space<vmem>>, vector<16xi32>,
      %swap3A_505 = arith.index_cast %scan3A_418 : i32 to index
      %swap3A_506 = arith.constant 464 : index
      %swap3A_507 = tpu.vector_load %arg5[%swap3A_505, %swap3A_506] {strides = array<i32>} : memref<32x1000xi32, #tpu.memory_space<vmem>>, vector<16xi32>,
      tpu.vector_store %arg5[%swap3A_505, %swap3A_506], %broadcast_in_dim3A_3 {strides = array<i32>} : memref<32x1000xi32, #tpu.memory_space<vmem>>, vector<16xi32>,
      %swap3A_508 = arith.index_cast %scan3A_418 : i32 to index
      %swap3A_509 = arith.constant 480 : index
      %swap3A_510 = tpu.vector_load %arg5[%swap3A_508, %swap3A_509] {strides = array<i32>} : memref<32x1000xi32, #tpu.memory_space<vmem>>, vector<16xi32>,
      tpu.vector_store %arg5[%swap3A_508, %swap3A_509], %broadcast_in_dim3A_3 {strides = array<i32>} : memref<32x1000xi32, #tpu.memory_space<vmem>>, vector<16xi32>,
      %swap3A_511 = arith.index_cast %scan3A_418 : i32 to index
      %swap3A_512 = arith.constant 496 : index
      %swap3A_513 = tpu.vector_load %arg5[%swap3A_511, %swap3A_512] {strides = array<i32>} : memref<32x1000xi32, #tpu.memory_space<vmem>>, vector<16xi32>,
      tpu.vector_store %arg5[%swap3A_511, %swap3A_512], %broadcast_in_dim3A_3 {strides = array<i32>} : memref<32x1000xi32, #tpu.memory_space<vmem>>, vector<16xi32>,
      %swap3A_514 = arith.index_cast %scan3A_418 : i32 to index
      %swap3A_515 = arith.constant 512 : index
      %swap3A_516 = tpu.vector_load %arg5[%swap3A_514, %swap3A_515] {strides = array<i32>} : memref<32x1000xi32, #tpu.memory_space<vmem>>, vector<16xi32>,
      tpu.vector_store %arg5[%swap3A_514, %swap3A_515], %broadcast_in_dim3A_3 {strides = array<i32>} : memref<32x1000xi32, #tpu.memory_space<vmem>>, vector<16xi32>,
      %swap3A_517 = arith.index_cast %scan3A_418 : i32 to index
      %swap3A_518 = arith.constant 528 : index
      %swap3A_519 = tpu.vector_load %arg5[%swap3A_517, %swap3A_518] {strides = array<i32>} : memref<32x1000xi32, #tpu.memory_space<vmem>>, vector<16xi32>,
      tpu.vector_store %arg5[%swap3A_517, %swap3A_518], %broadcast_in_dim3A_3 {strides = array<i32>} : memref<32x1000xi32, #tpu.memory_space<vmem>>, vector<16xi32>,
      %swap3A_520 = arith.index_cast %scan3A_418 : i32 to index
      %swap3A_521 = arith.constant 544 : index
      %swap3A_522 = tpu.vector_load %arg5[%swap3A_520, %swap3A_521] {strides = array<i32>} : memref<32x1000xi32, #tpu.memory_space<vmem>>, vector<16xi32>,
      tpu.vector_store %arg5[%swap3A_520, %swap3A_521], %broadcast_in_dim3A_3 {strides = array<i32>} : memref<32x1000xi32, #tpu.memory_space<vmem>>, vector<16xi32>,
      %swap3A_523 = arith.index_cast %scan3A_418 : i32 to index
      %swap3A_524 = arith.constant 560 : index
      %swap3A_525 = tpu.vector_load %arg5[%swap3A_523, %swap3A_524] {strides = array<i32>} : memref<32x1000xi32, #tpu.memory_space<vmem>>, vector<16xi32>,
      tpu.vector_store %arg5[%swap3A_523, %swap3A_524], %broadcast_in_dim3A_3 {strides = array<i32>} : memref<32x1000xi32, #tpu.memory_space<vmem>>, vector<16xi32>,
      %swap3A_526 = arith.index_cast %scan3A_418 : i32 to index
      %swap3A_527 = arith.constant 576 : index
      %swap3A_528 = tpu.vector_load %arg5[%swap3A_526, %swap3A_527] {strides = array<i32>} : memref<32x1000xi32, #tpu.memory_space<vmem>>, vector<16xi32>,
      tpu.vector_store %arg5[%swap3A_526, %swap3A_527], %broadcast_in_dim3A_3 {strides = array<i32>} : memref<32x1000xi32, #tpu.memory_space<vmem>>, vector<16xi32>,
      %swap3A_529 = arith.index_cast %scan3A_418 : i32 to index
      %swap3A_530 = arith.constant 592 : index
      %swap3A_531 = tpu.vector_load %arg5[%swap3A_529, %swap3A_530] {strides = array<i32>} : memref<32x1000xi32, #tpu.memory_space<vmem>>, vector<16xi32>,
      tpu.vector_store %arg5[%swap3A_529, %swap3A_530], %broadcast_in_dim3A_3 {strides = array<i32>} : memref<32x1000xi32, #tpu.memory_space<vmem>>, vector<16xi32>,
      %swap3A_532 = arith.index_cast %scan3A_418 : i32 to index
      %swap3A_533 = arith.constant 608 : index
      %swap3A_534 = tpu.vector_load %arg5[%swap3A_532, %swap3A_533] {strides = array<i32>} : memref<32x1000xi32, #tpu.memory_space<vmem>>, vector<16xi32>,
      tpu.vector_store %arg5[%swap3A_532, %swap3A_533], %broadcast_in_dim3A_3 {strides = array<i32>} : memref<32x1000xi32, #tpu.memory_space<vmem>>, vector<16xi32>,
      %swap3A_535 = arith.index_cast %scan3A_418 : i32 to index
      %swap3A_536 = arith.constant 624 : index
      %swap3A_537 = tpu.vector_load %arg5[%swap3A_535, %swap3A_536] {strides = array<i32>} : memref<32x1000xi32, #tpu.memory_space<vmem>>, vector<16xi32>,
      tpu.vector_store %arg5[%swap3A_535, %swap3A_536], %broadcast_in_dim3A_3 {strides = array<i32>} : memref<32x1000xi32, #tpu.memory_space<vmem>>, vector<16xi32>,
      %swap3A_538 = arith.index_cast %scan3A_418 : i32 to index
      %swap3A_539 = arith.constant 640 : index
      %swap3A_540 = tpu.vector_load %arg5[%swap3A_538, %swap3A_539] {strides = array<i32>} : memref<32x1000xi32, #tpu.memory_space<vmem>>, vector<16xi32>,
      tpu.vector_store %arg5[%swap3A_538, %swap3A_539], %broadcast_in_dim3A_3 {strides = array<i32>} : memref<32x1000xi32, #tpu.memory_space<vmem>>, vector<16xi32>,
      %swap3A_541 = arith.index_cast %scan3A_418 : i32 to index
      %swap3A_542 = arith.constant 656 : index
      %swap3A_543 = tpu.vector_load %arg5[%swap3A_541, %swap3A_542] {strides = array<i32>} : memref<32x1000xi32, #tpu.memory_space<vmem>>, vector<16xi32>,
      tpu.vector_store %arg5[%swap3A_541, %swap3A_542], %broadcast_in_dim3A_3 {strides = array<i32>} : memref<32x1000xi32, #tpu.memory_space<vmem>>, vector<16xi32>,
      %swap3A_544 = arith.index_cast %scan3A_418 : i32 to index
      %swap3A_545 = arith.constant 672 : index
      %swap3A_546 = tpu.vector_load %arg5[%swap3A_544, %swap3A_545] {strides = array<i32>} : memref<32x1000xi32, #tpu.memory_space<vmem>>, vector<16xi32>,
      tpu.vector_store %arg5[%swap3A_544, %swap3A_545], %broadcast_in_dim3A_3 {strides = array<i32>} : memref<32x1000xi32, #tpu.memory_space<vmem>>, vector<16xi32>,
      %swap3A_547 = arith.index_cast %scan3A_418 : i32 to index
      %swap3A_548 = arith.constant 688 : index
      %swap3A_549 = tpu.vector_load %arg5[%swap3A_547, %swap3A_548] {strides = array<i32>} : memref<32x1000xi32, #tpu.memory_space<vmem>>, vector<16xi32>,
      tpu.vector_store %arg5[%swap3A_547, %swap3A_548], %broadcast_in_dim3A_3 {strides = array<i32>} : memref<32x1000xi32, #tpu.memory_space<vmem>>, vector<16xi32>,
      %swap3A_550 = arith.index_cast %scan3A_418 : i32 to index
      %swap3A_551 = arith.constant 704 : index
      %swap3A_552 = tpu.vector_load %arg5[%swap3A_550, %swap3A_551] {strides = array<i32>} : memref<32x1000xi32, #tpu.memory_space<vmem>>, vector<16xi32>,
      tpu.vector_store %arg5[%swap3A_550, %swap3A_551], %broadcast_in_dim3A_3 {strides = array<i32>} : memref<32x1000xi32, #tpu.memory_space<vmem>>, vector<16xi32>,
      %swap3A_553 = arith.index_cast %scan3A_418 : i32 to index
      %swap3A_554 = arith.constant 720 : index
      %swap3A_555 = tpu.vector_load %arg5[%swap3A_553, %swap3A_554] {strides = array<i32>} : memref<32x1000xi32, #tpu.memory_space<vmem>>, vector<16xi32>,
      tpu.vector_store %arg5[%swap3A_553, %swap3A_554], %broadcast_in_dim3A_3 {strides = array<i32>} : memref<32x1000xi32, #tpu.memory_space<vmem>>, vector<16xi32>,
      %swap3A_556 = arith.index_cast %scan3A_418 : i32 to index
      %swap3A_557 = arith.constant 736 : index
      %swap3A_558 = tpu.vector_load %arg5[%swap3A_556, %swap3A_557] {strides = array<i32>} : memref<32x1000xi32, #tpu.memory_space<vmem>>, vector<16xi32>,
      tpu.vector_store %arg5[%swap3A_556, %swap3A_557], %broadcast_in_dim3A_3 {strides = array<i32>} : memref<32x1000xi32, #tpu.memory_space<vmem>>, vector<16xi32>,
      %swap3A_559 = arith.index_cast %scan3A_418 : i32 to index
      %swap3A_560 = arith.constant 752 : index
      %swap3A_561 = tpu.vector_load %arg5[%swap3A_559, %swap3A_560] {strides = array<i32>} : memref<32x1000xi32, #tpu.memory_space<vmem>>, vector<16xi32>,
      tpu.vector_store %arg5[%swap3A_559, %swap3A_560], %broadcast_in_dim3A_3 {strides = array<i32>} : memref<32x1000xi32, #tpu.memory_space<vmem>>, vector<16xi32>,
      %swap3A_562 = arith.index_cast %scan3A_418 : i32 to index
      %swap3A_563 = arith.constant 768 : index
      %swap3A_564 = tpu.vector_load %arg5[%swap3A_562, %swap3A_563] {strides = array<i32>} : memref<32x1000xi32, #tpu.memory_space<vmem>>, vector<16xi32>,
      tpu.vector_store %arg5[%swap3A_562, %swap3A_563], %broadcast_in_dim3A_3 {strides = array<i32>} : memref<32x1000xi32, #tpu.memory_space<vmem>>, vector<16xi32>,
      %swap3A_565 = arith.index_cast %scan3A_418 : i32 to index
      %swap3A_566 = arith.constant 784 : index
      %swap3A_567 = tpu.vector_load %arg5[%swap3A_565, %swap3A_566] {strides = array<i32>} : memref<32x1000xi32, #tpu.memory_space<vmem>>, vector<16xi32>,
      tpu.vector_store %arg5[%swap3A_565, %swap3A_566], %broadcast_in_dim3A_3 {strides = array<i32>} : memref<32x1000xi32, #tpu.memory_space<vmem>>, vector<16xi32>,
      %swap3A_568 = arith.index_cast %scan3A_418 : i32 to index
      %swap3A_569 = arith.constant 800 : index
      %swap3A_570 = tpu.vector_load %arg5[%swap3A_568, %swap3A_569] {strides = array<i32>} : memref<32x1000xi32, #tpu.memory_space<vmem>>, vector<16xi32>,
      tpu.vector_store %arg5[%swap3A_568, %swap3A_569], %broadcast_in_dim3A_3 {strides = array<i32>} : memref<32x1000xi32, #tpu.memory_space<vmem>>, vector<16xi32>,
      %swap3A_571 = arith.index_cast %scan3A_418 : i32 to index
      %swap3A_572 = arith.constant 816 : index
      %swap3A_573 = tpu.vector_load %arg5[%swap3A_571, %swap3A_572] {strides = array<i32>} : memref<32x1000xi32, #tpu.memory_space<vmem>>, vector<16xi32>,
      tpu.vector_store %arg5[%swap3A_571, %swap3A_572], %broadcast_in_dim3A_3 {strides = array<i32>} : memref<32x1000xi32, #tpu.memory_space<vmem>>, vector<16xi32>,
      %swap3A_574 = arith.index_cast %scan3A_418 : i32 to index
      %swap3A_575 = arith.constant 832 : index
      %swap3A_576 = tpu.vector_load %arg5[%swap3A_574, %swap3A_575] {strides = array<i32>} : memref<32x1000xi32, #tpu.memory_space<vmem>>, vector<16xi32>,
      tpu.vector_store %arg5[%swap3A_574, %swap3A_575], %broadcast_in_dim3A_3 {strides = array<i32>} : memref<32x1000xi32, #tpu.memory_space<vmem>>, vector<16xi32>,
      %swap3A_577 = arith.index_cast %scan3A_418 : i32 to index
      %swap3A_578 = arith.constant 848 : index
      %swap3A_579 = tpu.vector_load %arg5[%swap3A_577, %swap3A_578] {strides = array<i32>} : memref<32x1000xi32, #tpu.memory_space<vmem>>, vector<16xi32>,
      tpu.vector_store %arg5[%swap3A_577, %swap3A_578], %broadcast_in_dim3A_3 {strides = array<i32>} : memref<32x1000xi32, #tpu.memory_space<vmem>>, vector<16xi32>,
      %swap3A_580 = arith.index_cast %scan3A_418 : i32 to index
      %swap3A_581 = arith.constant 864 : index
      %swap3A_582 = tpu.vector_load %arg5[%swap3A_580, %swap3A_581] {strides = array<i32>} : memref<32x1000xi32, #tpu.memory_space<vmem>>, vector<16xi32>,
      tpu.vector_store %arg5[%swap3A_580, %swap3A_581], %broadcast_in_dim3A_3 {strides = array<i32>} : memref<32x1000xi32, #tpu.memory_space<vmem>>, vector<16xi32>,
      %swap3A_583 = arith.index_cast %scan3A_418 : i32 to index
      %swap3A_584 = arith.constant 880 : index
      %swap3A_585 = tpu.vector_load %arg5[%swap3A_583, %swap3A_584] {strides = array<i32>} : memref<32x1000xi32, #tpu.memory_space<vmem>>, vector<16xi32>,
      tpu.vector_store %arg5[%swap3A_583, %swap3A_584], %broadcast_in_dim3A_3 {strides = array<i32>} : memref<32x1000xi32, #tpu.memory_space<vmem>>, vector<16xi32>,
      %swap3A_586 = arith.index_cast %scan3A_418 : i32 to index
      %swap3A_587 = arith.constant 896 : index
      %swap3A_588 = tpu.vector_load %arg5[%swap3A_586, %swap3A_587] {strides = array<i32>} : memref<32x1000xi32, #tpu.memory_space<vmem>>, vector<16xi32>,
      tpu.vector_store %arg5[%swap3A_586, %swap3A_587], %broadcast_in_dim3A_3 {strides = array<i32>} : memref<32x1000xi32, #tpu.memory_space<vmem>>, vector<16xi32>,
      %swap3A_589 = arith.index_cast %scan3A_418 : i32 to index
      %swap3A_590 = arith.constant 912 : index
      %swap3A_591 = tpu.vector_load %arg5[%swap3A_589, %swap3A_590] {strides = array<i32>} : memref<32x1000xi32, #tpu.memory_space<vmem>>, vector<16xi32>,
      tpu.vector_store %arg5[%swap3A_589, %swap3A_590], %broadcast_in_dim3A_3 {strides = array<i32>} : memref<32x1000xi32, #tpu.memory_space<vmem>>, vector<16xi32>,
      %swap3A_592 = arith.index_cast %scan3A_418 : i32 to index
      %swap3A_593 = arith.constant 928 : index
      %swap3A_594 = tpu.vector_load %arg5[%swap3A_592, %swap3A_593] {strides = array<i32>} : memref<32x1000xi32, #tpu.memory_space<vmem>>, vector<16xi32>,
      tpu.vector_store %arg5[%swap3A_592, %swap3A_593], %broadcast_in_dim3A_3 {strides = array<i32>} : memref<32x1000xi32, #tpu.memory_space<vmem>>, vector<16xi32>,
      %swap3A_595 = arith.index_cast %scan3A_418 : i32 to index
      %swap3A_596 = arith.constant 944 : index
      %swap3A_597 = tpu.vector_load %arg5[%swap3A_595, %swap3A_596] {strides = array<i32>} : memref<32x1000xi32, #tpu.memory_space<vmem>>, vector<16xi32>,
      tpu.vector_store %arg5[%swap3A_595, %swap3A_596], %broadcast_in_dim3A_3 {strides = array<i32>} : memref<32x1000xi32, #tpu.memory_space<vmem>>, vector<16xi32>,
      %swap3A_598 = arith.index_cast %scan3A_418 : i32 to index
      %swap3A_599 = arith.constant 960 : index
      %swap3A_600 = tpu.vector_load %arg5[%swap3A_598, %swap3A_599] {strides = array<i32>} : memref<32x1000xi32, #tpu.memory_space<vmem>>, vector<16xi32>,
      tpu.vector_store %arg5[%swap3A_598, %swap3A_599], %broadcast_in_dim3A_3 {strides = array<i32>} : memref<32x1000xi32, #tpu.memory_space<vmem>>, vector<16xi32>,
      %swap3A_601 = arith.index_cast %scan3A_418 : i32 to index
      %swap3A_602 = arith.constant 976 : index
      %swap3A_603 = tpu.vector_load %arg5[%swap3A_601, %swap3A_602] {strides = array<i32>} : memref<32x1000xi32, #tpu.memory_space<vmem>>, vector<16xi32>,
      tpu.vector_store %arg5[%swap3A_601, %swap3A_602], %broadcast_in_dim3A_3 {strides = array<i32>} : memref<32x1000xi32, #tpu.memory_space<vmem>>, vector<16xi32>,
      %swap3A_604 = arith.index_cast %scan3A_418 : i32 to index
      %swap3A_605 = arith.constant 984 : index
      %swap3A_606 = tpu.vector_load %arg5[%swap3A_604, %swap3A_605] {strides = array<i32>} : memref<32x1000xi32, #tpu.memory_space<vmem>>, vector<16xi32>,
      tpu.vector_store %arg5[%swap3A_604, %swap3A_605], %broadcast_in_dim3A_3 {strides = array<i32>} : memref<32x1000xi32, #tpu.memory_space<vmem>>, vector<16xi32>,
    }
    %scan3A_10 = arith.constant 32 : i32
    %get3A = arith.constant 0 : index
    %get3A_11 = tpu.vector_load %arg4[%get3A] {strides = array<i32>} : memref<512xi32, #tpu.memory_space<vmem>>, vector<16xi32>,
    %add3A_12 = arith.constant 0 : i32
    %add3A_13 = vector.broadcast %add3A_12 : i32 to vector<16xi32>
    %add3A_14 = arith.addi %iota3A, %add3A_13 : vector<16xi32>
    tpu.vector_store_idx %arg5[%add3A_14, %get3A_11], %broadcast_in_dim3A_5 : memref<32x1000xi32, #tpu.memory_space<vmem>>[vector<16xi32>, vector<16xi32>], vector<16xi32>,
    %get3A_15 = arith.constant 16 : index
    %get3A_16 = tpu.vector_load %arg4[%get3A_15] {strides = array<i32>} : memref<512xi32, #tpu.memory_space<vmem>>, vector<16xi32>,
    %add3A_17 = arith.constant 16 : i32
    %add3A_18 = vector.broadcast %add3A_17 : i32 to vector<16xi32>
    %add3A_19 = arith.addi %iota3A, %add3A_18 : vector<16xi32>
    tpu.vector_store_idx %arg5[%add3A_19, %get3A_16], %broadcast_in_dim3A_5 : memref<32x1000xi32, #tpu.memory_space<vmem>>[vector<16xi32>, vector<16xi32>], vector<16xi32>,
    %add3A_20 = arith.constant 0 : i32
    %add3A_21 = arith.addi %mul3A_2, %add3A_20 : i32
    %dma_start3A = arith.constant 0 : i32
    %dma_start3A_22 = tpu.memref_slice %arg3[%add3A_21, %dma_start3A] : memref<16384x1000xi32, #tpu.memory_space<hbm>> -> memref<32x1000xi32, #tpu.memory_space<hbm>>
    %dma_start3A_23 = arith.constant 0 : i32
    %dma_start3A_24 = tpu.memref_slice %arg3[%add3A_21, %dma_start3A_23] : memref<16384x1000xi32, #tpu.memory_space<hbm>> -> memref<32x1000xi32, #tpu.memory_space<hbm>>
    tpu.enqueue_dma source(%arg5 : memref<32x1000xi32, #tpu.memory_space<vmem>>) target(%dma_start3A_24 : memref<32x1000xi32, #tpu.memory_space<hbm>>) target_semaphore(%arg7 : memref<!tpu.dma_semaphore, #tpu.memory_space<semaphore_mem>>)
    %scan3A_25 = arith.constant 0 : i32
    %scan3A_26 = arith.constant 0 : i32
    %scan3A_27 = arith.constant 32 : i32
    %scan3A_28 = arith.addi %scan3A_26, %scan3A_27 : i32
    %scan3A_29 = arith.constant 1 : i32
    scf.for %scan3A_418 = %scan3A_26 to %scan3A_28 step %scan3A_29  : i32 {
      %swap3A = arith.index_cast %scan3A_418 : i32 to index
      %swap3A_419 = arith.constant 0 : index
      %swap3A_420 = tpu.vector_load %arg6[%swap3A, %swap3A_419] {strides = array<i32>} : memref<32x1000xi32, #tpu.memory_space<vmem>>, vector<16xi32>,
      tpu.vector_store %arg6[%swap3A, %swap3A_419], %broadcast_in_dim3A_3 {strides = array<i32>} : memref<32x1000xi32, #tpu.memory_space<vmem>>, vector<16xi32>,
      %swap3A_421 = arith.index_cast %scan3A_418 : i32 to index
      %swap3A_422 = arith.constant 16 : index
      %swap3A_423 = tpu.vector_load %arg6[%swap3A_421, %swap3A_422] {strides = array<i32>} : memref<32x1000xi32, #tpu.memory_space<vmem>>, vector<16xi32>,
      tpu.vector_store %arg6[%swap3A_421, %swap3A_422], %broadcast_in_dim3A_3 {strides = array<i32>} : memref<32x1000xi32, #tpu.memory_space<vmem>>, vector<16xi32>,
      %swap3A_424 = arith.index_cast %scan3A_418 : i32 to index
      %swap3A_425 = arith.constant 32 : index
      %swap3A_426 = tpu.vector_load %arg6[%swap3A_424, %swap3A_425] {strides = array<i32>} : memref<32x1000xi32, #tpu.memory_space<vmem>>, vector<16xi32>,
      tpu.vector_store %arg6[%swap3A_424, %swap3A_425], %broadcast_in_dim3A_3 {strides = array<i32>} : memref<32x1000xi32, #tpu.memory_space<vmem>>, vector<16xi32>,
      %swap3A_427 = arith.index_cast %scan3A_418 : i32 to index
      %swap3A_428 = arith.constant 48 : index
      %swap3A_429 = tpu.vector_load %arg6[%swap3A_427, %swap3A_428] {strides = array<i32>} : memref<32x1000xi32, #tpu.memory_space<vmem>>, vector<16xi32>,
      tpu.vector_store %arg6[%swap3A_427, %swap3A_428], %broadcast_in_dim3A_3 {strides = array<i32>} : memref<32x1000xi32, #tpu.memory_space<vmem>>, vector<16xi32>,
      %swap3A_430 = arith.index_cast %scan3A_418 : i32 to index
      %swap3A_431 = arith.constant 64 : index
      %swap3A_432 = tpu.vector_load %arg6[%swap3A_430, %swap3A_431] {strides = array<i32>} : memref<32x1000xi32, #tpu.memory_space<vmem>>, vector<16xi32>,
      tpu.vector_store %arg6[%swap3A_430, %swap3A_431], %broadcast_in_dim3A_3 {strides = array<i32>} : memref<32x1000xi32, #tpu.memory_space<vmem>>, vector<16xi32>,
      %swap3A_433 = arith.index_cast %scan3A_418 : i32 to index
      %swap3A_434 = arith.constant 80 : index
      %swap3A_435 = tpu.vector_load %arg6[%swap3A_433, %swap3A_434] {strides = array<i32>} : memref<32x1000xi32, #tpu.memory_space<vmem>>, vector<16xi32>,
      tpu.vector_store %arg6[%swap3A_433, %swap3A_434], %broadcast_in_dim3A_3 {strides = array<i32>} : memref<32x1000xi32, #tpu.memory_space<vmem>>, vector<16xi32>,
      %swap3A_436 = arith.index_cast %scan3A_418 : i32 to index
      %swap3A_437 = arith.constant 96 : index
      %swap3A_438 = tpu.vector_load %arg6[%swap3A_436, %swap3A_437] {strides = array<i32>} : memref<32x1000xi32, #tpu.memory_space<vmem>>, vector<16xi32>,
      tpu.vector_store %arg6[%swap3A_436, %swap3A_437], %broadcast_in_dim3A_3 {strides = array<i32>} : memref<32x1000xi32, #tpu.memory_space<vmem>>, vector<16xi32>,
      %swap3A_439 = arith.index_cast %scan3A_418 : i32 to index
      %swap3A_440 = arith.constant 112 : index
      %swap3A_441 = tpu.vector_load %arg6[%swap3A_439, %swap3A_440] {strides = array<i32>} : memref<32x1000xi32, #tpu.memory_space<vmem>>, vector<16xi32>,
      tpu.vector_store %arg6[%swap3A_439, %swap3A_440], %broadcast_in_dim3A_3 {strides = array<i32>} : memref<32x1000xi32, #tpu.memory_space<vmem>>, vector<16xi32>,
      %swap3A_442 = arith.index_cast %scan3A_418 : i32 to index
      %swap3A_443 = arith.constant 128 : index
      %swap3A_444 = tpu.vector_load %arg6[%swap3A_442, %swap3A_443] {strides = array<i32>} : memref<32x1000xi32, #tpu.memory_space<vmem>>, vector<16xi32>,
      tpu.vector_store %arg6[%swap3A_442, %swap3A_443], %broadcast_in_dim3A_3 {strides = array<i32>} : memref<32x1000xi32, #tpu.memory_space<vmem>>, vector<16xi32>,
      %swap3A_445 = arith.index_cast %scan3A_418 : i32 to index
      %swap3A_446 = arith.constant 144 : index
      %swap3A_447 = tpu.vector_load %arg6[%swap3A_445, %swap3A_446] {strides = array<i32>} : memref<32x1000xi32, #tpu.memory_space<vmem>>, vector<16xi32>,
      tpu.vector_store %arg6[%swap3A_445, %swap3A_446], %broadcast_in_dim3A_3 {strides = array<i32>} : memref<32x1000xi32, #tpu.memory_space<vmem>>, vector<16xi32>,
      %swap3A_448 = arith.index_cast %scan3A_418 : i32 to index
      %swap3A_449 = arith.constant 160 : index
      %swap3A_450 = tpu.vector_load %arg6[%swap3A_448, %swap3A_449] {strides = array<i32>} : memref<32x1000xi32, #tpu.memory_space<vmem>>, vector<16xi32>,
      tpu.vector_store %arg6[%swap3A_448, %swap3A_449], %broadcast_in_dim3A_3 {strides = array<i32>} : memref<32x1000xi32, #tpu.memory_space<vmem>>, vector<16xi32>,
      %swap3A_451 = arith.index_cast %scan3A_418 : i32 to index
      %swap3A_452 = arith.constant 176 : index
      %swap3A_453 = tpu.vector_load %arg6[%swap3A_451, %swap3A_452] {strides = array<i32>} : memref<32x1000xi32, #tpu.memory_space<vmem>>, vector<16xi32>,
      tpu.vector_store %arg6[%swap3A_451, %swap3A_452], %broadcast_in_dim3A_3 {strides = array<i32>} : memref<32x1000xi32, #tpu.memory_space<vmem>>, vector<16xi32>,
      %swap3A_454 = arith.index_cast %scan3A_418 : i32 to index
      %swap3A_455 = arith.constant 192 : index
      %swap3A_456 = tpu.vector_load %arg6[%swap3A_454, %swap3A_455] {strides = array<i32>} : memref<32x1000xi32, #tpu.memory_space<vmem>>, vector<16xi32>,
      tpu.vector_store %arg6[%swap3A_454, %swap3A_455], %broadcast_in_dim3A_3 {strides = array<i32>} : memref<32x1000xi32, #tpu.memory_space<vmem>>, vector<16xi32>,
      %swap3A_457 = arith.index_cast %scan3A_418 : i32 to index
      %swap3A_458 = arith.constant 208 : index
      %swap3A_459 = tpu.vector_load %arg6[%swap3A_457, %swap3A_458] {strides = array<i32>} : memref<32x1000xi32, #tpu.memory_space<vmem>>, vector<16xi32>,
      tpu.vector_store %arg6[%swap3A_457, %swap3A_458], %broadcast_in_dim3A_3 {strides = array<i32>} : memref<32x1000xi32, #tpu.memory_space<vmem>>, vector<16xi32>,
      %swap3A_460 = arith.index_cast %scan3A_418 : i32 to index
      %swap3A_461 = arith.constant 224 : index
      %swap3A_462 = tpu.vector_load %arg6[%swap3A_460, %swap3A_461] {strides = array<i32>} : memref<32x1000xi32, #tpu.memory_space<vmem>>, vector<16xi32>,
      tpu.vector_store %arg6[%swap3A_460, %swap3A_461], %broadcast_in_dim3A_3 {strides = array<i32>} : memref<32x1000xi32, #tpu.memory_space<vmem>>, vector<16xi32>,
      %swap3A_463 = arith.index_cast %scan3A_418 : i32 to index
      %swap3A_464 = arith.constant 240 : index
      %swap3A_465 = tpu.vector_load %arg6[%swap3A_463, %swap3A_464] {strides = array<i32>} : memref<32x1000xi32, #tpu.memory_space<vmem>>, vector<16xi32>,
      tpu.vector_store %arg6[%swap3A_463, %swap3A_464], %broadcast_in_dim3A_3 {strides = array<i32>} : memref<32x1000xi32, #tpu.memory_space<vmem>>, vector<16xi32>,
      %swap3A_466 = arith.index_cast %scan3A_418 : i32 to index
      %swap3A_467 = arith.constant 256 : index
      %swap3A_468 = tpu.vector_load %arg6[%swap3A_466, %swap3A_467] {strides = array<i32>} : memref<32x1000xi32, #tpu.memory_space<vmem>>, vector<16xi32>,
      tpu.vector_store %arg6[%swap3A_466, %swap3A_467], %broadcast_in_dim3A_3 {strides = array<i32>} : memref<32x1000xi32, #tpu.memory_space<vmem>>, vector<16xi32>,
      %swap3A_469 = arith.index_cast %scan3A_418 : i32 to index
      %swap3A_470 = arith.constant 272 : index
      %swap3A_471 = tpu.vector_load %arg6[%swap3A_469, %swap3A_470] {strides = array<i32>} : memref<32x1000xi32, #tpu.memory_space<vmem>>, vector<16xi32>,
      tpu.vector_store %arg6[%swap3A_469, %swap3A_470], %broadcast_in_dim3A_3 {strides = array<i32>} : memref<32x1000xi32, #tpu.memory_space<vmem>>, vector<16xi32>,
      %swap3A_472 = arith.index_cast %scan3A_418 : i32 to index
      %swap3A_473 = arith.constant 288 : index
      %swap3A_474 = tpu.vector_load %arg6[%swap3A_472, %swap3A_473] {strides = array<i32>} : memref<32x1000xi32, #tpu.memory_space<vmem>>, vector<16xi32>,
      tpu.vector_store %arg6[%swap3A_472, %swap3A_473], %broadcast_in_dim3A_3 {strides = array<i32>} : memref<32x1000xi32, #tpu.memory_space<vmem>>, vector<16xi32>,
      %swap3A_475 = arith.index_cast %scan3A_418 : i32 to index
      %swap3A_476 = arith.constant 304 : index
      %swap3A_477 = tpu.vector_load %arg6[%swap3A_475, %swap3A_476] {strides = array<i32>} : memref<32x1000xi32, #tpu.memory_space<vmem>>, vector<16xi32>,
      tpu.vector_store %arg6[%swap3A_475, %swap3A_476], %broadcast_in_dim3A_3 {strides = array<i32>} : memref<32x1000xi32, #tpu.memory_space<vmem>>, vector<16xi32>,
      %swap3A_478 = arith.index_cast %scan3A_418 : i32 to index
      %swap3A_479 = arith.constant 320 : index
      %swap3A_480 = tpu.vector_load %arg6[%swap3A_478, %swap3A_479] {strides = array<i32>} : memref<32x1000xi32, #tpu.memory_space<vmem>>, vector<16xi32>,
      tpu.vector_store %arg6[%swap3A_478, %swap3A_479], %broadcast_in_dim3A_3 {strides = array<i32>} : memref<32x1000xi32, #tpu.memory_space<vmem>>, vector<16xi32>,
      %swap3A_481 = arith.index_cast %scan3A_418 : i32 to index
      %swap3A_482 = arith.constant 336 : index
      %swap3A_483 = tpu.vector_load %arg6[%swap3A_481, %swap3A_482] {strides = array<i32>} : memref<32x1000xi32, #tpu.memory_space<vmem>>, vector<16xi32>,
      tpu.vector_store %arg6[%swap3A_481, %swap3A_482], %broadcast_in_dim3A_3 {strides = array<i32>} : memref<32x1000xi32, #tpu.memory_space<vmem>>, vector<16xi32>,
      %swap3A_484 = arith.index_cast %scan3A_418 : i32 to index
      %swap3A_485 = arith.constant 352 : index
      %swap3A_486 = tpu.vector_load %arg6[%swap3A_484, %swap3A_485] {strides = array<i32>} : memref<32x1000xi32, #tpu.memory_space<vmem>>, vector<16xi32>,
      tpu.vector_store %arg6[%swap3A_484, %swap3A_485], %broadcast_in_dim3A_3 {strides = array<i32>} : memref<32x1000xi32, #tpu.memory_space<vmem>>, vector<16xi32>,
      %swap3A_487 = arith.index_cast %scan3A_418 : i32 to index
      %swap3A_488 = arith.constant 368 : index
      %swap3A_489 = tpu.vector_load %arg6[%swap3A_487, %swap3A_488] {strides = array<i32>} : memref<32x1000xi32, #tpu.memory_space<vmem>>, vector<16xi32>,
      tpu.vector_store %arg6[%swap3A_487, %swap3A_488], %broadcast_in_dim3A_3 {strides = array<i32>} : memref<32x1000xi32, #tpu.memory_space<vmem>>, vector<16xi32>,
      %swap3A_490 = arith.index_cast %scan3A_418 : i32 to index
      %swap3A_491 = arith.constant 384 : index
      %swap3A_492 = tpu.vector_load %arg6[%swap3A_490, %swap3A_491] {strides = array<i32>} : memref<32x1000xi32, #tpu.memory_space<vmem>>, vector<16xi32>,
      tpu.vector_store %arg6[%swap3A_490, %swap3A_491], %broadcast_in_dim3A_3 {strides = array<i32>} : memref<32x1000xi32, #tpu.memory_space<vmem>>, vector<16xi32>,
      %swap3A_493 = arith.index_cast %scan3A_418 : i32 to index
      %swap3A_494 = arith.constant 400 : index
      %swap3A_495 = tpu.vector_load %arg6[%swap3A_493, %swap3A_494] {strides = array<i32>} : memref<32x1000xi32, #tpu.memory_space<vmem>>, vector<16xi32>,
      tpu.vector_store %arg6[%swap3A_493, %swap3A_494], %broadcast_in_dim3A_3 {strides = array<i32>} : memref<32x1000xi32, #tpu.memory_space<vmem>>, vector<16xi32>,
      %swap3A_496 = arith.index_cast %scan3A_418 : i32 to index
      %swap3A_497 = arith.constant 416 : index
      %swap3A_498 = tpu.vector_load %arg6[%swap3A_496, %swap3A_497] {strides = array<i32>} : memref<32x1000xi32, #tpu.memory_space<vmem>>, vector<16xi32>,
      tpu.vector_store %arg6[%swap3A_496, %swap3A_497], %broadcast_in_dim3A_3 {strides = array<i32>} : memref<32x1000xi32, #tpu.memory_space<vmem>>, vector<16xi32>,
      %swap3A_499 = arith.index_cast %scan3A_418 : i32 to index
      %swap3A_500 = arith.constant 432 : index
      %swap3A_501 = tpu.vector_load %arg6[%swap3A_499, %swap3A_500] {strides = array<i32>} : memref<32x1000xi32, #tpu.memory_space<vmem>>, vector<16xi32>,
      tpu.vector_store %arg6[%swap3A_499, %swap3A_500], %broadcast_in_dim3A_3 {strides = array<i32>} : memref<32x1000xi32, #tpu.memory_space<vmem>>, vector<16xi32>,
      %swap3A_502 = arith.index_cast %scan3A_418 : i32 to index
      %swap3A_503 = arith.constant 448 : index
      %swap3A_504 = tpu.vector_load %arg6[%swap3A_502, %swap3A_503] {strides = array<i32>} : memref<32x1000xi32, #tpu.memory_space<vmem>>, vector<16xi32>,
      tpu.vector_store %arg6[%swap3A_502, %swap3A_503], %broadcast_in_dim3A_3 {strides = array<i32>} : memref<32x1000xi32, #tpu.memory_space<vmem>>, vector<16xi32>,
      %swap3A_505 = arith.index_cast %scan3A_418 : i32 to index
      %swap3A_506 = arith.constant 464 : index
      %swap3A_507 = tpu.vector_load %arg6[%swap3A_505, %swap3A_506] {strides = array<i32>} : memref<32x1000xi32, #tpu.memory_space<vmem>>, vector<16xi32>,
      tpu.vector_store %arg6[%swap3A_505, %swap3A_506], %broadcast_in_dim3A_3 {strides = array<i32>} : memref<32x1000xi32, #tpu.memory_space<vmem>>, vector<16xi32>,
      %swap3A_508 = arith.index_cast %scan3A_418 : i32 to index
      %swap3A_509 = arith.constant 480 : index
      %swap3A_510 = tpu.vector_load %arg6[%swap3A_508, %swap3A_509] {strides = array<i32>} : memref<32x1000xi32, #tpu.memory_space<vmem>>, vector<16xi32>,
      tpu.vector_store %arg6[%swap3A_508, %swap3A_509], %broadcast_in_dim3A_3 {strides = array<i32>} : memref<32x1000xi32, #tpu.memory_space<vmem>>, vector<16xi32>,
      %swap3A_511 = arith.index_cast %scan3A_418 : i32 to index
      %swap3A_512 = arith.constant 496 : index
      %swap3A_513 = tpu.vector_load %arg6[%swap3A_511, %swap3A_512] {strides = array<i32>} : memref<32x1000xi32, #tpu.memory_space<vmem>>, vector<16xi32>,
      tpu.vector_store %arg6[%swap3A_511, %swap3A_512], %broadcast_in_dim3A_3 {strides = array<i32>} : memref<32x1000xi32, #tpu.memory_space<vmem>>, vector<16xi32>,
      %swap3A_514 = arith.index_cast %scan3A_418 : i32 to index
      %swap3A_515 = arith.constant 512 : index
      %swap3A_516 = tpu.vector_load %arg6[%swap3A_514, %swap3A_515] {strides = array<i32>} : memref<32x1000xi32, #tpu.memory_space<vmem>>, vector<16xi32>,
      tpu.vector_store %arg6[%swap3A_514, %swap3A_515], %broadcast_in_dim3A_3 {strides = array<i32>} : memref<32x1000xi32, #tpu.memory_space<vmem>>, vector<16xi32>,
      %swap3A_517 = arith.index_cast %scan3A_418 : i32 to index
      %swap3A_518 = arith.constant 528 : index
      %swap3A_519 = tpu.vector_load %arg6[%swap3A_517, %swap3A_518] {strides = array<i32>} : memref<32x1000xi32, #tpu.memory_space<vmem>>, vector<16xi32>,
      tpu.vector_store %arg6[%swap3A_517, %swap3A_518], %broadcast_in_dim3A_3 {strides = array<i32>} : memref<32x1000xi32, #tpu.memory_space<vmem>>, vector<16xi32>,
      %swap3A_520 = arith.index_cast %scan3A_418 : i32 to index
      %swap3A_521 = arith.constant 544 : index
      %swap3A_522 = tpu.vector_load %arg6[%swap3A_520, %swap3A_521] {strides = array<i32>} : memref<32x1000xi32, #tpu.memory_space<vmem>>, vector<16xi32>,
      tpu.vector_store %arg6[%swap3A_520, %swap3A_521], %broadcast_in_dim3A_3 {strides = array<i32>} : memref<32x1000xi32, #tpu.memory_space<vmem>>, vector<16xi32>,
      %swap3A_523 = arith.index_cast %scan3A_418 : i32 to index
      %swap3A_524 = arith.constant 560 : index
      %swap3A_525 = tpu.vector_load %arg6[%swap3A_523, %swap3A_524] {strides = array<i32>} : memref<32x1000xi32, #tpu.memory_space<vmem>>, vector<16xi32>,
      tpu.vector_store %arg6[%swap3A_523, %swap3A_524], %broadcast_in_dim3A_3 {strides = array<i32>} : memref<32x1000xi32, #tpu.memory_space<vmem>>, vector<16xi32>,
      %swap3A_526 = arith.index_cast %scan3A_418 : i32 to index
      %swap3A_527 = arith.constant 576 : index
      %swap3A_528 = tpu.vector_load %arg6[%swap3A_526, %swap3A_527] {strides = array<i32>} : memref<32x1000xi32, #tpu.memory_space<vmem>>, vector<16xi32>,
      tpu.vector_store %arg6[%swap3A_526, %swap3A_527], %broadcast_in_dim3A_3 {strides = array<i32>} : memref<32x1000xi32, #tpu.memory_space<vmem>>, vector<16xi32>,
      %swap3A_529 = arith.index_cast %scan3A_418 : i32 to index
      %swap3A_530 = arith.constant 592 : index
      %swap3A_531 = tpu.vector_load %arg6[%swap3A_529, %swap3A_530] {strides = array<i32>} : memref<32x1000xi32, #tpu.memory_space<vmem>>, vector<16xi32>,
      tpu.vector_store %arg6[%swap3A_529, %swap3A_530], %broadcast_in_dim3A_3 {strides = array<i32>} : memref<32x1000xi32, #tpu.memory_space<vmem>>, vector<16xi32>,
      %swap3A_532 = arith.index_cast %scan3A_418 : i32 to index
      %swap3A_533 = arith.constant 608 : index
      %swap3A_534 = tpu.vector_load %arg6[%swap3A_532, %swap3A_533] {strides = array<i32>} : memref<32x1000xi32, #tpu.memory_space<vmem>>, vector<16xi32>,
      tpu.vector_store %arg6[%swap3A_532, %swap3A_533], %broadcast_in_dim3A_3 {strides = array<i32>} : memref<32x1000xi32, #tpu.memory_space<vmem>>, vector<16xi32>,
      %swap3A_535 = arith.index_cast %scan3A_418 : i32 to index
      %swap3A_536 = arith.constant 624 : index
      %swap3A_537 = tpu.vector_load %arg6[%swap3A_535, %swap3A_536] {strides = array<i32>} : memref<32x1000xi32, #tpu.memory_space<vmem>>, vector<16xi32>,
      tpu.vector_store %arg6[%swap3A_535, %swap3A_536], %broadcast_in_dim3A_3 {strides = array<i32>} : memref<32x1000xi32, #tpu.memory_space<vmem>>, vector<16xi32>,
      %swap3A_538 = arith.index_cast %scan3A_418 : i32 to index
      %swap3A_539 = arith.constant 640 : index
      %swap3A_540 = tpu.vector_load %arg6[%swap3A_538, %swap3A_539] {strides = array<i32>} : memref<32x1000xi32, #tpu.memory_space<vmem>>, vector<16xi32>,
      tpu.vector_store %arg6[%swap3A_538, %swap3A_539], %broadcast_in_dim3A_3 {strides = array<i32>} : memref<32x1000xi32, #tpu.memory_space<vmem>>, vector<16xi32>,
      %swap3A_541 = arith.index_cast %scan3A_418 : i32 to index
      %swap3A_542 = arith.constant 656 : index
      %swap3A_543 = tpu.vector_load %arg6[%swap3A_541, %swap3A_542] {strides = array<i32>} : memref<32x1000xi32, #tpu.memory_space<vmem>>, vector<16xi32>,
      tpu.vector_store %arg6[%swap3A_541, %swap3A_542], %broadcast_in_dim3A_3 {strides = array<i32>} : memref<32x1000xi32, #tpu.memory_space<vmem>>, vector<16xi32>,
      %swap3A_544 = arith.index_cast %scan3A_418 : i32 to index
      %swap3A_545 = arith.constant 672 : index
      %swap3A_546 = tpu.vector_load %arg6[%swap3A_544, %swap3A_545] {strides = array<i32>} : memref<32x1000xi32, #tpu.memory_space<vmem>>, vector<16xi32>,
      tpu.vector_store %arg6[%swap3A_544, %swap3A_545], %broadcast_in_dim3A_3 {strides = array<i32>} : memref<32x1000xi32, #tpu.memory_space<vmem>>, vector<16xi32>,
      %swap3A_547 = arith.index_cast %scan3A_418 : i32 to index
      %swap3A_548 = arith.constant 688 : index
      %swap3A_549 = tpu.vector_load %arg6[%swap3A_547, %swap3A_548] {strides = array<i32>} : memref<32x1000xi32, #tpu.memory_space<vmem>>, vector<16xi32>,
      tpu.vector_store %arg6[%swap3A_547, %swap3A_548], %broadcast_in_dim3A_3 {strides = array<i32>} : memref<32x1000xi32, #tpu.memory_space<vmem>>, vector<16xi32>,
      %swap3A_550 = arith.index_cast %scan3A_418 : i32 to index
      %swap3A_551 = arith.constant 704 : index
      %swap3A_552 = tpu.vector_load %arg6[%swap3A_550, %swap3A_551] {strides = array<i32>} : memref<32x1000xi32, #tpu.memory_space<vmem>>, vector<16xi32>,
      tpu.vector_store %arg6[%swap3A_550, %swap3A_551], %broadcast_in_dim3A_3 {strides = array<i32>} : memref<32x1000xi32, #tpu.memory_space<vmem>>, vector<16xi32>,
      %swap3A_553 = arith.index_cast %scan3A_418 : i32 to index
      %swap3A_554 = arith.constant 720 : index
      %swap3A_555 = tpu.vector_load %arg6[%swap3A_553, %swap3A_554] {strides = array<i32>} : memref<32x1000xi32, #tpu.memory_space<vmem>>, vector<16xi32>,
      tpu.vector_store %arg6[%swap3A_553, %swap3A_554], %broadcast_in_dim3A_3 {strides = array<i32>} : memref<32x1000xi32, #tpu.memory_space<vmem>>, vector<16xi32>,
      %swap3A_556 = arith.index_cast %scan3A_418 : i32 to index
      %swap3A_557 = arith.constant 736 : index
      %swap3A_558 = tpu.vector_load %arg6[%swap3A_556, %swap3A_557] {strides = array<i32>} : memref<32x1000xi32, #tpu.memory_space<vmem>>, vector<16xi32>,
      tpu.vector_store %arg6[%swap3A_556, %swap3A_557], %broadcast_in_dim3A_3 {strides = array<i32>} : memref<32x1000xi32, #tpu.memory_space<vmem>>, vector<16xi32>,
      %swap3A_559 = arith.index_cast %scan3A_418 : i32 to index
      %swap3A_560 = arith.constant 752 : index
      %swap3A_561 = tpu.vector_load %arg6[%swap3A_559, %swap3A_560] {strides = array<i32>} : memref<32x1000xi32, #tpu.memory_space<vmem>>, vector<16xi32>,
      tpu.vector_store %arg6[%swap3A_559, %swap3A_560], %broadcast_in_dim3A_3 {strides = array<i32>} : memref<32x1000xi32, #tpu.memory_space<vmem>>, vector<16xi32>,
      %swap3A_562 = arith.index_cast %scan3A_418 : i32 to index
      %swap3A_563 = arith.constant 768 : index
      %swap3A_564 = tpu.vector_load %arg6[%swap3A_562, %swap3A_563] {strides = array<i32>} : memref<32x1000xi32, #tpu.memory_space<vmem>>, vector<16xi32>,
      tpu.vector_store %arg6[%swap3A_562, %swap3A_563], %broadcast_in_dim3A_3 {strides = array<i32>} : memref<32x1000xi32, #tpu.memory_space<vmem>>, vector<16xi32>,
      %swap3A_565 = arith.index_cast %scan3A_418 : i32 to index
      %swap3A_566 = arith.constant 784 : index
      %swap3A_567 = tpu.vector_load %arg6[%swap3A_565, %swap3A_566] {strides = array<i32>} : memref<32x1000xi32, #tpu.memory_space<vmem>>, vector<16xi32>,
      tpu.vector_store %arg6[%swap3A_565, %swap3A_566], %broadcast_in_dim3A_3 {strides = array<i32>} : memref<32x1000xi32, #tpu.memory_space<vmem>>, vector<16xi32>,
      %swap3A_568 = arith.index_cast %scan3A_418 : i32 to index
      %swap3A_569 = arith.constant 800 : index
      %swap3A_570 = tpu.vector_load %arg6[%swap3A_568, %swap3A_569] {strides = array<i32>} : memref<32x1000xi32, #tpu.memory_space<vmem>>, vector<16xi32>,
      tpu.vector_store %arg6[%swap3A_568, %swap3A_569], %broadcast_in_dim3A_3 {strides = array<i32>} : memref<32x1000xi32, #tpu.memory_space<vmem>>, vector<16xi32>,
      %swap3A_571 = arith.index_cast %scan3A_418 : i32 to index
      %swap3A_572 = arith.constant 816 : index
      %swap3A_573 = tpu.vector_load %arg6[%swap3A_571, %swap3A_572] {strides = array<i32>} : memref<32x1000xi32, #tpu.memory_space<vmem>>, vector<16xi32>,
      tpu.vector_store %arg6[%swap3A_571, %swap3A_572], %broadcast_in_dim3A_3 {strides = array<i32>} : memref<32x1000xi32, #tpu.memory_space<vmem>>, vector<16xi32>,
      %swap3A_574 = arith.index_cast %scan3A_418 : i32 to index
      %swap3A_575 = arith.constant 832 : index
      %swap3A_576 = tpu.vector_load %arg6[%swap3A_574, %swap3A_575] {strides = array<i32>} : memref<32x1000xi32, #tpu.memory_space<vmem>>, vector<16xi32>,
      tpu.vector_store %arg6[%swap3A_574, %swap3A_575], %broadcast_in_dim3A_3 {strides = array<i32>} : memref<32x1000xi32, #tpu.memory_space<vmem>>, vector<16xi32>,
      %swap3A_577 = arith.index_cast %scan3A_418 : i32 to index
      %swap3A_578 = arith.constant 848 : index
      %swap3A_579 = tpu.vector_load %arg6[%swap3A_577, %swap3A_578] {strides = array<i32>} : memref<32x1000xi32, #tpu.memory_space<vmem>>, vector<16xi32>,
      tpu.vector_store %arg6[%swap3A_577, %swap3A_578], %broadcast_in_dim3A_3 {strides = array<i32>} : memref<32x1000xi32, #tpu.memory_space<vmem>>, vector<16xi32>,
      %swap3A_580 = arith.index_cast %scan3A_418 : i32 to index
      %swap3A_581 = arith.constant 864 : index
      %swap3A_582 = tpu.vector_load %arg6[%swap3A_580, %swap3A_581] {strides = array<i32>} : memref<32x1000xi32, #tpu.memory_space<vmem>>, vector<16xi32>,
      tpu.vector_store %arg6[%swap3A_580, %swap3A_581], %broadcast_in_dim3A_3 {strides = array<i32>} : memref<32x1000xi32, #tpu.memory_space<vmem>>, vector<16xi32>,
      %swap3A_583 = arith.index_cast %scan3A_418 : i32 to index
      %swap3A_584 = arith.constant 880 : index
      %swap3A_585 = tpu.vector_load %arg6[%swap3A_583, %swap3A_584] {strides = array<i32>} : memref<32x1000xi32, #tpu.memory_space<vmem>>, vector<16xi32>,
      tpu.vector_store %arg6[%swap3A_583, %swap3A_584], %broadcast_in_dim3A_3 {strides = array<i32>} : memref<32x1000xi32, #tpu.memory_space<vmem>>, vector<16xi32>,
      %swap3A_586 = arith.index_cast %scan3A_418 : i32 to index
      %swap3A_587 = arith.constant 896 : index
      %swap3A_588 = tpu.vector_load %arg6[%swap3A_586, %swap3A_587] {strides = array<i32>} : memref<32x1000xi32, #tpu.memory_space<vmem>>, vector<16xi32>,
      tpu.vector_store %arg6[%swap3A_586, %swap3A_587], %broadcast_in_dim3A_3 {strides = array<i32>} : memref<32x1000xi32, #tpu.memory_space<vmem>>, vector<16xi32>,
      %swap3A_589 = arith.index_cast %scan3A_418 : i32 to index
      %swap3A_590 = arith.constant 912 : index
      %swap3A_591 = tpu.vector_load %arg6[%swap3A_589, %swap3A_590] {strides = array<i32>} : memref<32x1000xi32, #tpu.memory_space<vmem>>, vector<16xi32>,
      tpu.vector_store %arg6[%swap3A_589, %swap3A_590], %broadcast_in_dim3A_3 {strides = array<i32>} : memref<32x1000xi32, #tpu.memory_space<vmem>>, vector<16xi32>,
      %swap3A_592 = arith.index_cast %scan3A_418 : i32 to index
      %swap3A_593 = arith.constant 928 : index
      %swap3A_594 = tpu.vector_load %arg6[%swap3A_592, %swap3A_593] {strides = array<i32>} : memref<32x1000xi32, #tpu.memory_space<vmem>>, vector<16xi32>,
      tpu.vector_store %arg6[%swap3A_592, %swap3A_593], %broadcast_in_dim3A_3 {strides = array<i32>} : memref<32x1000xi32, #tpu.memory_space<vmem>>, vector<16xi32>,
      %swap3A_595 = arith.index_cast %scan3A_418 : i32 to index
      %swap3A_596 = arith.constant 944 : index
      %swap3A_597 = tpu.vector_load %arg6[%swap3A_595, %swap3A_596] {strides = array<i32>} : memref<32x1000xi32, #tpu.memory_space<vmem>>, vector<16xi32>,
      tpu.vector_store %arg6[%swap3A_595, %swap3A_596], %broadcast_in_dim3A_3 {strides = array<i32>} : memref<32x1000xi32, #tpu.memory_space<vmem>>, vector<16xi32>,
      %swap3A_598 = arith.index_cast %scan3A_418 : i32 to index
      %swap3A_599 = arith.constant 960 : index
      %swap3A_600 = tpu.vector_load %arg6[%swap3A_598, %swap3A_599] {strides = array<i32>} : memref<32x1000xi32, #tpu.memory_space<vmem>>, vector<16xi32>,
      tpu.vector_store %arg6[%swap3A_598, %swap3A_599], %broadcast_in_dim3A_3 {strides = array<i32>} : memref<32x1000xi32, #tpu.memory_space<vmem>>, vector<16xi32>,
      %swap3A_601 = arith.index_cast %scan3A_418 : i32 to index
      %swap3A_602 = arith.constant 976 : index
      %swap3A_603 = tpu.vector_load %arg6[%swap3A_601, %swap3A_602] {strides = array<i32>} : memref<32x1000xi32, #tpu.memory_space<vmem>>, vector<16xi32>,
      tpu.vector_store %arg6[%swap3A_601, %swap3A_602], %broadcast_in_dim3A_3 {strides = array<i32>} : memref<32x1000xi32, #tpu.memory_space<vmem>>, vector<16xi32>,
      %swap3A_604 = arith.index_cast %scan3A_418 : i32 to index
      %swap3A_605 = arith.constant 984 : index
      %swap3A_606 = tpu.vector_load %arg6[%swap3A_604, %swap3A_605] {strides = array<i32>} : memref<32x1000xi32, #tpu.memory_space<vmem>>, vector<16xi32>,
      tpu.vector_store %arg6[%swap3A_604, %swap3A_605], %broadcast_in_dim3A_3 {strides = array<i32>} : memref<32x1000xi32, #tpu.memory_space<vmem>>, vector<16xi32>,
    }
    %scan3A_30 = arith.constant 32 : i32
    %get3A_31 = arith.constant 32 : index
    %get3A_32 = tpu.vector_load %arg4[%get3A_31] {strides = array<i32>} : memref<512xi32, #tpu.memory_space<vmem>>, vector<16xi32>,
    %add3A_33 = arith.constant 0 : i32
    %add3A_34 = vector.broadcast %add3A_33 : i32 to vector<16xi32>
    %add3A_35 = arith.addi %iota3A, %add3A_34 : vector<16xi32>
    tpu.vector_store_idx %arg6[%add3A_35, %get3A_32], %broadcast_in_dim3A_5 : memref<32x1000xi32, #tpu.memory_space<vmem>>[vector<16xi32>, vector<16xi32>], vector<16xi32>,
    %get3A_36 = arith.constant 48 : index
    %get3A_37 = tpu.vector_load %arg4[%get3A_36] {strides = array<i32>} : memref<512xi32, #tpu.memory_space<vmem>>, vector<16xi32>,
    %add3A_38 = arith.constant 16 : i32
    %add3A_39 = vector.broadcast %add3A_38 : i32 to vector<16xi32>
    %add3A_40 = arith.addi %iota3A, %add3A_39 : vector<16xi32>
    tpu.vector_store_idx %arg6[%add3A_40, %get3A_37], %broadcast_in_dim3A_5 : memref<32x1000xi32, #tpu.memory_space<vmem>>[vector<16xi32>, vector<16xi32>], vector<16xi32>,
    %add3A_41 = arith.constant 32 : i32
    %add3A_42 = arith.addi %mul3A_2, %add3A_41 : i32
    %dma_start3A_43 = arith.constant 0 : i32
    %dma_start3A_44 = tpu.memref_slice %arg3[%add3A_42, %dma_start3A_43] : memref<16384x1000xi32, #tpu.memory_space<hbm>> -> memref<32x1000xi32, #tpu.memory_space<hbm>>
    %dma_start3A_45 = arith.constant 0 : i32
    %dma_start3A_46 = tpu.memref_slice %arg3[%add3A_42, %dma_start3A_45] : memref<16384x1000xi32, #tpu.memory_space<hbm>> -> memref<32x1000xi32, #tpu.memory_space<hbm>>
    tpu.enqueue_dma source(%arg6 : memref<32x1000xi32, #tpu.memory_space<vmem>>) target(%dma_start3A_46 : memref<32x1000xi32, #tpu.memory_space<hbm>>) target_semaphore(%arg8 : memref<!tpu.dma_semaphore, #tpu.memory_space<semaphore_mem>>)
    %dma_wait3A = arith.constant 0 : i32
    %dma_wait3A_47 = tpu.memref_slice %arg3[%add3A_21, %dma_wait3A] : memref<16384x1000xi32, #tpu.memory_space<hbm>> -> memref<32x1000xi32, #tpu.memory_space<hbm>>
    %dma_wait3A_48 = arith.constant 0 : i32
    %dma_wait3A_49 = tpu.memref_slice %arg3[%add3A_21, %dma_wait3A_48] : memref<16384x1000xi32, #tpu.memory_space<hbm>> -> memref<32x1000xi32, #tpu.memory_space<hbm>>
    tpu.wait_dma2 semaphore(%arg7 : memref<!tpu.dma_semaphore, #tpu.memory_space<semaphore_mem>>) src(%arg5 : memref<32x1000xi32, #tpu.memory_space<vmem>>) dst(%dma_wait3A_49 : memref<32x1000xi32, #tpu.memory_space<hbm>>)
    %add3A_50 = arith.constant 0 : i32
    %add3A_51 = vector.broadcast %add3A_50 : i32 to vector<16xi32>
    %add3A_52 = arith.addi %iota3A, %add3A_51 : vector<16xi32>
    tpu.vector_store_idx %arg5[%add3A_52, %get3A_11], %broadcast_in_dim3A_3 : memref<32x1000xi32, #tpu.memory_space<vmem>>[vector<16xi32>, vector<16xi32>], vector<16xi32>,
    %add3A_53 = arith.constant 16 : i32
    %add3A_54 = vector.broadcast %add3A_53 : i32 to vector<16xi32>
    %add3A_55 = arith.addi %iota3A, %add3A_54 : vector<16xi32>
    tpu.vector_store_idx %arg5[%add3A_55, %get3A_16], %broadcast_in_dim3A_3 : memref<32x1000xi32, #tpu.memory_space<vmem>>[vector<16xi32>, vector<16xi32>], vector<16xi32>,
    %get3A_56 = arith.constant 64 : index
    %get3A_57 = tpu.vector_load %arg4[%get3A_56] {strides = array<i32>} : memref<512xi32, #tpu.memory_space<vmem>>, vector<16xi32>,
    %add3A_58 = arith.constant 0 : i32
    %add3A_59 = vector.broadcast %add3A_58 : i32 to vector<16xi32>
    %add3A_60 = arith.addi %iota3A, %add3A_59 : vector<16xi32>
    tpu.vector_store_idx %arg5[%add3A_60, %get3A_57], %broadcast_in_dim3A_5 : memref<32x1000xi32, #tpu.memory_space<vmem>>[vector<16xi32>, vector<16xi32>], vector<16xi32>,
    %get3A_61 = arith.constant 80 : index
    %get3A_62 = tpu.vector_load %arg4[%get3A_61] {strides = array<i32>} : memref<512xi32, #tpu.memory_space<vmem>>, vector<16xi32>,
    %add3A_63 = arith.constant 16 : i32
    %add3A_64 = vector.broadcast %add3A_63 : i32 to vector<16xi32>
    %add3A_65 = arith.addi %iota3A, %add3A_64 : vector<16xi32>
    tpu.vector_store_idx %arg5[%add3A_65, %get3A_62], %broadcast_in_dim3A_5 : memref<32x1000xi32, #tpu.memory_space<vmem>>[vector<16xi32>, vector<16xi32>], vector<16xi32>,
    %add3A_66 = arith.constant 64 : i32
    %add3A_67 = arith.addi %mul3A_2, %add3A_66 : i32
    %dma_start3A_68 = arith.constant 0 : i32
    %dma_start3A_69 = tpu.memref_slice %arg3[%add3A_67, %dma_start3A_68] : memref<16384x1000xi32, #tpu.memory_space<hbm>> -> memref<32x1000xi32, #tpu.memory_space<hbm>>
    %dma_start3A_70 = arith.constant 0 : i32
    %dma_start3A_71 = tpu.memref_slice %arg3[%add3A_67, %dma_start3A_70] : memref<16384x1000xi32, #tpu.memory_space<hbm>> -> memref<32x1000xi32, #tpu.memory_space<hbm>>
    tpu.enqueue_dma source(%arg5 : memref<32x1000xi32, #tpu.memory_space<vmem>>) target(%dma_start3A_71 : memref<32x1000xi32, #tpu.memory_space<hbm>>) target_semaphore(%arg7 : memref<!tpu.dma_semaphore, #tpu.memory_space<semaphore_mem>>)
    %dma_wait3A_72 = arith.constant 0 : i32
    %dma_wait3A_73 = tpu.memref_slice %arg3[%add3A_42, %dma_wait3A_72] : memref<16384x1000xi32, #tpu.memory_space<hbm>> -> memref<32x1000xi32, #tpu.memory_space<hbm>>
    %dma_wait3A_74 = arith.constant 0 : i32
    %dma_wait3A_75 = tpu.memref_slice %arg3[%add3A_42, %dma_wait3A_74] : memref<16384x1000xi32, #tpu.memory_space<hbm>> -> memref<32x1000xi32, #tpu.memory_space<hbm>>
    tpu.wait_dma2 semaphore(%arg8 : memref<!tpu.dma_semaphore, #tpu.memory_space<semaphore_mem>>) src(%arg6 : memref<32x1000xi32, #tpu.memory_space<vmem>>) dst(%dma_wait3A_75 : memref<32x1000xi32, #tpu.memory_space<hbm>>)
    %add3A_76 = arith.constant 0 : i32
    %add3A_77 = vector.broadcast %add3A_76 : i32 to vector<16xi32>
    %add3A_78 = arith.addi %iota3A, %add3A_77 : vector<16xi32>
    tpu.vector_store_idx %arg6[%add3A_78, %get3A_32], %broadcast_in_dim3A_3 : memref<32x1000xi32, #tpu.memory_space<vmem>>[vector<16xi32>, vector<16xi32>], vector<16xi32>,
    %add3A_79 = arith.constant 16 : i32
    %add3A_80 = vector.broadcast %add3A_79 : i32 to vector<16xi32>
    %add3A_81 = arith.addi %iota3A, %add3A_80 : vector<16xi32>
    tpu.vector_store_idx %arg6[%add3A_81, %get3A_37], %broadcast_in_dim3A_3 : memref<32x1000xi32, #tpu.memory_space<vmem>>[vector<16xi32>, vector<16xi32>], vector<16xi32>,
    %get3A_82 = arith.constant 96 : index
    %get3A_83 = tpu.vector_load %arg4[%get3A_82] {strides = array<i32>} : memref<512xi32, #tpu.memory_space<vmem>>, vector<16xi32>,
    %add3A_84 = arith.constant 0 : i32
    %add3A_85 = vector.broadcast %add3A_84 : i32 to vector<16xi32>
    %add3A_86 = arith.addi %iota3A, %add3A_85 : vector<16xi32>
    tpu.vector_store_idx %arg6[%add3A_86, %get3A_83], %broadcast_in_dim3A_5 : memref<32x1000xi32, #tpu.memory_space<vmem>>[vector<16xi32>, vector<16xi32>], vector<16xi32>,
    %get3A_87 = arith.constant 112 : index
    %get3A_88 = tpu.vector_load %arg4[%get3A_87] {strides = array<i32>} : memref<512xi32, #tpu.memory_space<vmem>>, vector<16xi32>,
    %add3A_89 = arith.constant 16 : i32
    %add3A_90 = vector.broadcast %add3A_89 : i32 to vector<16xi32>
    %add3A_91 = arith.addi %iota3A, %add3A_90 : vector<16xi32>
    tpu.vector_store_idx %arg6[%add3A_91, %get3A_88], %broadcast_in_dim3A_5 : memref<32x1000xi32, #tpu.memory_space<vmem>>[vector<16xi32>, vector<16xi32>], vector<16xi32>,
    %add3A_92 = arith.constant 96 : i32
    %add3A_93 = arith.addi %mul3A_2, %add3A_92 : i32
    %dma_start3A_94 = arith.constant 0 : i32
    %dma_start3A_95 = tpu.memref_slice %arg3[%add3A_93, %dma_start3A_94] : memref<16384x1000xi32, #tpu.memory_space<hbm>> -> memref<32x1000xi32, #tpu.memory_space<hbm>>
    %dma_start3A_96 = arith.constant 0 : i32
    %dma_start3A_97 = tpu.memref_slice %arg3[%add3A_93, %dma_start3A_96] : memref<16384x1000xi32, #tpu.memory_space<hbm>> -> memref<32x1000xi32, #tpu.memory_space<hbm>>
    tpu.enqueue_dma source(%arg6 : memref<32x1000xi32, #tpu.memory_space<vmem>>) target(%dma_start3A_97 : memref<32x1000xi32, #tpu.memory_space<hbm>>) target_semaphore(%arg8 : memref<!tpu.dma_semaphore, #tpu.memory_space<semaphore_mem>>)
    %dma_wait3A_98 = arith.constant 0 : i32
    %dma_wait3A_99 = tpu.memref_slice %arg3[%add3A_67, %dma_wait3A_98] : memref<16384x1000xi32, #tpu.memory_space<hbm>> -> memref<32x1000xi32, #tpu.memory_space<hbm>>
    %dma_wait3A_100 = arith.constant 0 : i32
    %dma_wait3A_101 = tpu.memref_slice %arg3[%add3A_67, %dma_wait3A_100] : memref<16384x1000xi32, #tpu.memory_space<hbm>> -> memref<32x1000xi32, #tpu.memory_space<hbm>>
    tpu.wait_dma2 semaphore(%arg7 : memref<!tpu.dma_semaphore, #tpu.memory_space<semaphore_mem>>) src(%arg5 : memref<32x1000xi32, #tpu.memory_space<vmem>>) dst(%dma_wait3A_101 : memref<32x1000xi32, #tpu.memory_space<hbm>>)
    %add3A_102 = arith.constant 0 : i32
    %add3A_103 = vector.broadcast %add3A_102 : i32 to vector<16xi32>
    %add3A_104 = arith.addi %iota3A, %add3A_103 : vector<16xi32>
    tpu.vector_store_idx %arg5[%add3A_104, %get3A_57], %broadcast_in_dim3A_3 : memref<32x1000xi32, #tpu.memory_space<vmem>>[vector<16xi32>, vector<16xi32>], vector<16xi32>,
    %add3A_105 = arith.constant 16 : i32
    %add3A_106 = vector.broadcast %add3A_105 : i32 to vector<16xi32>
    %add3A_107 = arith.addi %iota3A, %add3A_106 : vector<16xi32>
    tpu.vector_store_idx %arg5[%add3A_107, %get3A_62], %broadcast_in_dim3A_3 : memref<32x1000xi32, #tpu.memory_space<vmem>>[vector<16xi32>, vector<16xi32>], vector<16xi32>,
    %get3A_108 = arith.constant 128 : index
    %get3A_109 = tpu.vector_load %arg4[%get3A_108] {strides = array<i32>} : memref<512xi32, #tpu.memory_space<vmem>>, vector<16xi32>,
    %add3A_110 = arith.constant 0 : i32
    %add3A_111 = vector.broadcast %add3A_110 : i32 to vector<16xi32>
    %add3A_112 = arith.addi %iota3A, %add3A_111 : vector<16xi32>
    tpu.vector_store_idx %arg5[%add3A_112, %get3A_109], %broadcast_in_dim3A_5 : memref<32x1000xi32, #tpu.memory_space<vmem>>[vector<16xi32>, vector<16xi32>], vector<16xi32>,
    %get3A_113 = arith.constant 144 : index
    %get3A_114 = tpu.vector_load %arg4[%get3A_113] {strides = array<i32>} : memref<512xi32, #tpu.memory_space<vmem>>, vector<16xi32>,
    %add3A_115 = arith.constant 16 : i32
    %add3A_116 = vector.broadcast %add3A_115 : i32 to vector<16xi32>
    %add3A_117 = arith.addi %iota3A, %add3A_116 : vector<16xi32>
    tpu.vector_store_idx %arg5[%add3A_117, %get3A_114], %broadcast_in_dim3A_5 : memref<32x1000xi32, #tpu.memory_space<vmem>>[vector<16xi32>, vector<16xi32>], vector<16xi32>,
    %add3A_118 = arith.constant 128 : i32
    %add3A_119 = arith.addi %mul3A_2, %add3A_118 : i32
    %dma_start3A_120 = arith.constant 0 : i32
    %dma_start3A_121 = tpu.memref_slice %arg3[%add3A_119, %dma_start3A_120] : memref<16384x1000xi32, #tpu.memory_space<hbm>> -> memref<32x1000xi32, #tpu.memory_space<hbm>>
    %dma_start3A_122 = arith.constant 0 : i32
    %dma_start3A_123 = tpu.memref_slice %arg3[%add3A_119, %dma_start3A_122] : memref<16384x1000xi32, #tpu.memory_space<hbm>> -> memref<32x1000xi32, #tpu.memory_space<hbm>>
    tpu.enqueue_dma source(%arg5 : memref<32x1000xi32, #tpu.memory_space<vmem>>) target(%dma_start3A_123 : memref<32x1000xi32, #tpu.memory_space<hbm>>) target_semaphore(%arg7 : memref<!tpu.dma_semaphore, #tpu.memory_space<semaphore_mem>>)
    %dma_wait3A_124 = arith.constant 0 : i32
    %dma_wait3A_125 = tpu.memref_slice %arg3[%add3A_93, %dma_wait3A_124] : memref<16384x1000xi32, #tpu.memory_space<hbm>> -> memref<32x1000xi32, #tpu.memory_space<hbm>>
    %dma_wait3A_126 = arith.constant 0 : i32
    %dma_wait3A_127 = tpu.memref_slice %arg3[%add3A_93, %dma_wait3A_126] : memref<16384x1000xi32, #tpu.memory_space<hbm>> -> memref<32x1000xi32, #tpu.memory_space<hbm>>
    tpu.wait_dma2 semaphore(%arg8 : memref<!tpu.dma_semaphore, #tpu.memory_space<semaphore_mem>>) src(%arg6 : memref<32x1000xi32, #tpu.memory_space<vmem>>) dst(%dma_wait3A_127 : memref<32x1000xi32, #tpu.memory_space<hbm>>)
    %add3A_128 = arith.constant 0 : i32
    %add3A_129 = vector.broadcast %add3A_128 : i32 to vector<16xi32>
    %add3A_130 = arith.addi %iota3A, %add3A_129 : vector<16xi32>
    tpu.vector_store_idx %arg6[%add3A_130, %get3A_83], %broadcast_in_dim3A_3 : memref<32x1000xi32, #tpu.memory_space<vmem>>[vector<16xi32>, vector<16xi32>], vector<16xi32>,
    %add3A_131 = arith.constant 16 : i32
    %add3A_132 = vector.broadcast %add3A_131 : i32 to vector<16xi32>
    %add3A_133 = arith.addi %iota3A, %add3A_132 : vector<16xi32>
    tpu.vector_store_idx %arg6[%add3A_133, %get3A_88], %broadcast_in_dim3A_3 : memref<32x1000xi32, #tpu.memory_space<vmem>>[vector<16xi32>, vector<16xi32>], vector<16xi32>,
    %get3A_134 = arith.constant 160 : index
    %get3A_135 = tpu.vector_load %arg4[%get3A_134] {strides = array<i32>} : memref<512xi32, #tpu.memory_space<vmem>>, vector<16xi32>,
    %add3A_136 = arith.constant 0 : i32
    %add3A_137 = vector.broadcast %add3A_136 : i32 to vector<16xi32>
    %add3A_138 = arith.addi %iota3A, %add3A_137 : vector<16xi32>
    tpu.vector_store_idx %arg6[%add3A_138, %get3A_135], %broadcast_in_dim3A_5 : memref<32x1000xi32, #tpu.memory_space<vmem>>[vector<16xi32>, vector<16xi32>], vector<16xi32>,
    %get3A_139 = arith.constant 176 : index
    %get3A_140 = tpu.vector_load %arg4[%get3A_139] {strides = array<i32>} : memref<512xi32, #tpu.memory_space<vmem>>, vector<16xi32>,
    %add3A_141 = arith.constant 16 : i32
    %add3A_142 = vector.broadcast %add3A_141 : i32 to vector<16xi32>
    %add3A_143 = arith.addi %iota3A, %add3A_142 : vector<16xi32>
    tpu.vector_store_idx %arg6[%add3A_143, %get3A_140], %broadcast_in_dim3A_5 : memref<32x1000xi32, #tpu.memory_space<vmem>>[vector<16xi32>, vector<16xi32>], vector<16xi32>,
    %add3A_144 = arith.constant 160 : i32
    %add3A_145 = arith.addi %mul3A_2, %add3A_144 : i32
    %dma_start3A_146 = arith.constant 0 : i32
    %dma_start3A_147 = tpu.memref_slice %arg3[%add3A_145, %dma_start3A_146] : memref<16384x1000xi32, #tpu.memory_space<hbm>> -> memref<32x1000xi32, #tpu.memory_space<hbm>>
    %dma_start3A_148 = arith.constant 0 : i32
    %dma_start3A_149 = tpu.memref_slice %arg3[%add3A_145, %dma_start3A_148] : memref<16384x1000xi32, #tpu.memory_space<hbm>> -> memref<32x1000xi32, #tpu.memory_space<hbm>>
    tpu.enqueue_dma source(%arg6 : memref<32x1000xi32, #tpu.memory_space<vmem>>) target(%dma_start3A_149 : memref<32x1000xi32, #tpu.memory_space<hbm>>) target_semaphore(%arg8 : memref<!tpu.dma_semaphore, #tpu.memory_space<semaphore_mem>>)
    %dma_wait3A_150 = arith.constant 0 : i32
    %dma_wait3A_151 = tpu.memref_slice %arg3[%add3A_119, %dma_wait3A_150] : memref<16384x1000xi32, #tpu.memory_space<hbm>> -> memref<32x1000xi32, #tpu.memory_space<hbm>>
    %dma_wait3A_152 = arith.constant 0 : i32
    %dma_wait3A_153 = tpu.memref_slice %arg3[%add3A_119, %dma_wait3A_152] : memref<16384x1000xi32, #tpu.memory_space<hbm>> -> memref<32x1000xi32, #tpu.memory_space<hbm>>
    tpu.wait_dma2 semaphore(%arg7 : memref<!tpu.dma_semaphore, #tpu.memory_space<semaphore_mem>>) src(%arg5 : memref<32x1000xi32, #tpu.memory_space<vmem>>) dst(%dma_wait3A_153 : memref<32x1000xi32, #tpu.memory_space<hbm>>)
    %add3A_154 = arith.constant 0 : i32
    %add3A_155 = vector.broadcast %add3A_154 : i32 to vector<16xi32>
    %add3A_156 = arith.addi %iota3A, %add3A_155 : vector<16xi32>
    tpu.vector_store_idx %arg5[%add3A_156, %get3A_109], %broadcast_in_dim3A_3 : memref<32x1000xi32, #tpu.memory_space<vmem>>[vector<16xi32>, vector<16xi32>], vector<16xi32>,
    %add3A_157 = arith.constant 16 : i32
    %add3A_158 = vector.broadcast %add3A_157 : i32 to vector<16xi32>
    %add3A_159 = arith.addi %iota3A, %add3A_158 : vector<16xi32>
    tpu.vector_store_idx %arg5[%add3A_159, %get3A_114], %broadcast_in_dim3A_3 : memref<32x1000xi32, #tpu.memory_space<vmem>>[vector<16xi32>, vector<16xi32>], vector<16xi32>,
    %get3A_160 = arith.constant 192 : index
    %get3A_161 = tpu.vector_load %arg4[%get3A_160] {strides = array<i32>} : memref<512xi32, #tpu.memory_space<vmem>>, vector<16xi32>,
    %add3A_162 = arith.constant 0 : i32
    %add3A_163 = vector.broadcast %add3A_162 : i32 to vector<16xi32>
    %add3A_164 = arith.addi %iota3A, %add3A_163 : vector<16xi32>
    tpu.vector_store_idx %arg5[%add3A_164, %get3A_161], %broadcast_in_dim3A_5 : memref<32x1000xi32, #tpu.memory_space<vmem>>[vector<16xi32>, vector<16xi32>], vector<16xi32>,
    %get3A_165 = arith.constant 208 : index
    %get3A_166 = tpu.vector_load %arg4[%get3A_165] {strides = array<i32>} : memref<512xi32, #tpu.memory_space<vmem>>, vector<16xi32>,
    %add3A_167 = arith.constant 16 : i32
    %add3A_168 = vector.broadcast %add3A_167 : i32 to vector<16xi32>
    %add3A_169 = arith.addi %iota3A, %add3A_168 : vector<16xi32>
    tpu.vector_store_idx %arg5[%add3A_169, %get3A_166], %broadcast_in_dim3A_5 : memref<32x1000xi32, #tpu.memory_space<vmem>>[vector<16xi32>, vector<16xi32>], vector<16xi32>,
    %add3A_170 = arith.constant 192 : i32
    %add3A_171 = arith.addi %mul3A_2, %add3A_170 : i32
    %dma_start3A_172 = arith.constant 0 : i32
    %dma_start3A_173 = tpu.memref_slice %arg3[%add3A_171, %dma_start3A_172] : memref<16384x1000xi32, #tpu.memory_space<hbm>> -> memref<32x1000xi32, #tpu.memory_space<hbm>>
    %dma_start3A_174 = arith.constant 0 : i32
    %dma_start3A_175 = tpu.memref_slice %arg3[%add3A_171, %dma_start3A_174] : memref<16384x1000xi32, #tpu.memory_space<hbm>> -> memref<32x1000xi32, #tpu.memory_space<hbm>>
    tpu.enqueue_dma source(%arg5 : memref<32x1000xi32, #tpu.memory_space<vmem>>) target(%dma_start3A_175 : memref<32x1000xi32, #tpu.memory_space<hbm>>) target_semaphore(%arg7 : memref<!tpu.dma_semaphore, #tpu.memory_space<semaphore_mem>>)
    %dma_wait3A_176 = arith.constant 0 : i32
    %dma_wait3A_177 = tpu.memref_slice %arg3[%add3A_145, %dma_wait3A_176] : memref<16384x1000xi32, #tpu.memory_space<hbm>> -> memref<32x1000xi32, #tpu.memory_space<hbm>>
    %dma_wait3A_178 = arith.constant 0 : i32
    %dma_wait3A_179 = tpu.memref_slice %arg3[%add3A_145, %dma_wait3A_178] : memref<16384x1000xi32, #tpu.memory_space<hbm>> -> memref<32x1000xi32, #tpu.memory_space<hbm>>
    tpu.wait_dma2 semaphore(%arg8 : memref<!tpu.dma_semaphore, #tpu.memory_space<semaphore_mem>>) src(%arg6 : memref<32x1000xi32, #tpu.memory_space<vmem>>) dst(%dma_wait3A_179 : memref<32x1000xi32, #tpu.memory_space<hbm>>)
    %add3A_180 = arith.constant 0 : i32
    %add3A_181 = vector.broadcast %add3A_180 : i32 to vector<16xi32>
    %add3A_182 = arith.addi %iota3A, %add3A_181 : vector<16xi32>
    tpu.vector_store_idx %arg6[%add3A_182, %get3A_135], %broadcast_in_dim3A_3 : memref<32x1000xi32, #tpu.memory_space<vmem>>[vector<16xi32>, vector<16xi32>], vector<16xi32>,
    %add3A_183 = arith.constant 16 : i32
    %add3A_184 = vector.broadcast %add3A_183 : i32 to vector<16xi32>
    %add3A_185 = arith.addi %iota3A, %add3A_184 : vector<16xi32>
    tpu.vector_store_idx %arg6[%add3A_185, %get3A_140], %broadcast_in_dim3A_3 : memref<32x1000xi32, #tpu.memory_space<vmem>>[vector<16xi32>, vector<16xi32>], vector<16xi32>,
    %get3A_186 = arith.constant 224 : index
    %get3A_187 = tpu.vector_load %arg4[%get3A_186] {strides = array<i32>} : memref<512xi32, #tpu.memory_space<vmem>>, vector<16xi32>,
    %add3A_188 = arith.constant 0 : i32
    %add3A_189 = vector.broadcast %add3A_188 : i32 to vector<16xi32>
    %add3A_190 = arith.addi %iota3A, %add3A_189 : vector<16xi32>
    tpu.vector_store_idx %arg6[%add3A_190, %get3A_187], %broadcast_in_dim3A_5 : memref<32x1000xi32, #tpu.memory_space<vmem>>[vector<16xi32>, vector<16xi32>], vector<16xi32>,
    %get3A_191 = arith.constant 240 : index
    %get3A_192 = tpu.vector_load %arg4[%get3A_191] {strides = array<i32>} : memref<512xi32, #tpu.memory_space<vmem>>, vector<16xi32>,
    %add3A_193 = arith.constant 16 : i32
    %add3A_194 = vector.broadcast %add3A_193 : i32 to vector<16xi32>
    %add3A_195 = arith.addi %iota3A, %add3A_194 : vector<16xi32>
    tpu.vector_store_idx %arg6[%add3A_195, %get3A_192], %broadcast_in_dim3A_5 : memref<32x1000xi32, #tpu.memory_space<vmem>>[vector<16xi32>, vector<16xi32>], vector<16xi32>,
    %add3A_196 = arith.constant 224 : i32
    %add3A_197 = arith.addi %mul3A_2, %add3A_196 : i32
    %dma_start3A_198 = arith.constant 0 : i32
    %dma_start3A_199 = tpu.memref_slice %arg3[%add3A_197, %dma_start3A_198] : memref<16384x1000xi32, #tpu.memory_space<hbm>> -> memref<32x1000xi32, #tpu.memory_space<hbm>>
    %dma_start3A_200 = arith.constant 0 : i32
    %dma_start3A_201 = tpu.memref_slice %arg3[%add3A_197, %dma_start3A_200] : memref<16384x1000xi32, #tpu.memory_space<hbm>> -> memref<32x1000xi32, #tpu.memory_space<hbm>>
    tpu.enqueue_dma source(%arg6 : memref<32x1000xi32, #tpu.memory_space<vmem>>) target(%dma_start3A_201 : memref<32x1000xi32, #tpu.memory_space<hbm>>) target_semaphore(%arg8 : memref<!tpu.dma_semaphore, #tpu.memory_space<semaphore_mem>>)
    %dma_wait3A_202 = arith.constant 0 : i32
    %dma_wait3A_203 = tpu.memref_slice %arg3[%add3A_171, %dma_wait3A_202] : memref<16384x1000xi32, #tpu.memory_space<hbm>> -> memref<32x1000xi32, #tpu.memory_space<hbm>>
    %dma_wait3A_204 = arith.constant 0 : i32
    %dma_wait3A_205 = tpu.memref_slice %arg3[%add3A_171, %dma_wait3A_204] : memref<16384x1000xi32, #tpu.memory_space<hbm>> -> memref<32x1000xi32, #tpu.memory_space<hbm>>
    tpu.wait_dma2 semaphore(%arg7 : memref<!tpu.dma_semaphore, #tpu.memory_space<semaphore_mem>>) src(%arg5 : memref<32x1000xi32, #tpu.memory_space<vmem>>) dst(%dma_wait3A_205 : memref<32x1000xi32, #tpu.memory_space<hbm>>)
    %add3A_206 = arith.constant 0 : i32
    %add3A_207 = vector.broadcast %add3A_206 : i32 to vector<16xi32>
    %add3A_208 = arith.addi %iota3A, %add3A_207 : vector<16xi32>
    tpu.vector_store_idx %arg5[%add3A_208, %get3A_161], %broadcast_in_dim3A_3 : memref<32x1000xi32, #tpu.memory_space<vmem>>[vector<16xi32>, vector<16xi32>], vector<16xi32>,
    %add3A_209 = arith.constant 16 : i32
    %add3A_210 = vector.broadcast %add3A_209 : i32 to vector<16xi32>
    %add3A_211 = arith.addi %iota3A, %add3A_210 : vector<16xi32>
    tpu.vector_store_idx %arg5[%add3A_211, %get3A_166], %broadcast_in_dim3A_3 : memref<32x1000xi32, #tpu.memory_space<vmem>>[vector<16xi32>, vector<16xi32>], vector<16xi32>,
    %get3A_212 = arith.constant 256 : index
    %get3A_213 = tpu.vector_load %arg4[%get3A_212] {strides = array<i32>} : memref<512xi32, #tpu.memory_space<vmem>>, vector<16xi32>,
    %add3A_214 = arith.constant 0 : i32
    %add3A_215 = vector.broadcast %add3A_214 : i32 to vector<16xi32>
    %add3A_216 = arith.addi %iota3A, %add3A_215 : vector<16xi32>
    tpu.vector_store_idx %arg5[%add3A_216, %get3A_213], %broadcast_in_dim3A_5 : memref<32x1000xi32, #tpu.memory_space<vmem>>[vector<16xi32>, vector<16xi32>], vector<16xi32>,
    %get3A_217 = arith.constant 272 : index
    %get3A_218 = tpu.vector_load %arg4[%get3A_217] {strides = array<i32>} : memref<512xi32, #tpu.memory_space<vmem>>, vector<16xi32>,
    %add3A_219 = arith.constant 16 : i32
    %add3A_220 = vector.broadcast %add3A_219 : i32 to vector<16xi32>
    %add3A_221 = arith.addi %iota3A, %add3A_220 : vector<16xi32>
    tpu.vector_store_idx %arg5[%add3A_221, %get3A_218], %broadcast_in_dim3A_5 : memref<32x1000xi32, #tpu.memory_space<vmem>>[vector<16xi32>, vector<16xi32>], vector<16xi32>,
    %add3A_222 = arith.constant 256 : i32
    %add3A_223 = arith.addi %mul3A_2, %add3A_222 : i32
    %dma_start3A_224 = arith.constant 0 : i32
    %dma_start3A_225 = tpu.memref_slice %arg3[%add3A_223, %dma_start3A_224] : memref<16384x1000xi32, #tpu.memory_space<hbm>> -> memref<32x1000xi32, #tpu.memory_space<hbm>>
    %dma_start3A_226 = arith.constant 0 : i32
    %dma_start3A_227 = tpu.memref_slice %arg3[%add3A_223, %dma_start3A_226] : memref<16384x1000xi32, #tpu.memory_space<hbm>> -> memref<32x1000xi32, #tpu.memory_space<hbm>>
    tpu.enqueue_dma source(%arg5 : memref<32x1000xi32, #tpu.memory_space<vmem>>) target(%dma_start3A_227 : memref<32x1000xi32, #tpu.memory_space<hbm>>) target_semaphore(%arg7 : memref<!tpu.dma_semaphore, #tpu.memory_space<semaphore_mem>>)
    %dma_wait3A_228 = arith.constant 0 : i32
    %dma_wait3A_229 = tpu.memref_slice %arg3[%add3A_197, %dma_wait3A_228] : memref<16384x1000xi32, #tpu.memory_space<hbm>> -> memref<32x1000xi32, #tpu.memory_space<hbm>>
    %dma_wait3A_230 = arith.constant 0 : i32
    %dma_wait3A_231 = tpu.memref_slice %arg3[%add3A_197, %dma_wait3A_230] : memref<16384x1000xi32, #tpu.memory_space<hbm>> -> memref<32x1000xi32, #tpu.memory_space<hbm>>
    tpu.wait_dma2 semaphore(%arg8 : memref<!tpu.dma_semaphore, #tpu.memory_space<semaphore_mem>>) src(%arg6 : memref<32x1000xi32, #tpu.memory_space<vmem>>) dst(%dma_wait3A_231 : memref<32x1000xi32, #tpu.memory_space<hbm>>)
    %add3A_232 = arith.constant 0 : i32
    %add3A_233 = vector.broadcast %add3A_232 : i32 to vector<16xi32>
    %add3A_234 = arith.addi %iota3A, %add3A_233 : vector<16xi32>
    tpu.vector_store_idx %arg6[%add3A_234, %get3A_187], %broadcast_in_dim3A_3 : memref<32x1000xi32, #tpu.memory_space<vmem>>[vector<16xi32>, vector<16xi32>], vector<16xi32>,
    %add3A_235 = arith.constant 16 : i32
    %add3A_236 = vector.broadcast %add3A_235 : i32 to vector<16xi32>
    %add3A_237 = arith.addi %iota3A, %add3A_236 : vector<16xi32>
    tpu.vector_store_idx %arg6[%add3A_237, %get3A_192], %broadcast_in_dim3A_3 : memref<32x1000xi32, #tpu.memory_space<vmem>>[vector<16xi32>, vector<16xi32>], vector<16xi32>,
    %get3A_238 = arith.constant 288 : index
    %get3A_239 = tpu.vector_load %arg4[%get3A_238] {strides = array<i32>} : memref<512xi32, #tpu.memory_space<vmem>>, vector<16xi32>,
    %add3A_240 = arith.constant 0 : i32
    %add3A_241 = vector.broadcast %add3A_240 : i32 to vector<16xi32>
    %add3A_242 = arith.addi %iota3A, %add3A_241 : vector<16xi32>
    tpu.vector_store_idx %arg6[%add3A_242, %get3A_239], %broadcast_in_dim3A_5 : memref<32x1000xi32, #tpu.memory_space<vmem>>[vector<16xi32>, vector<16xi32>], vector<16xi32>,
    %get3A_243 = arith.constant 304 : index
    %get3A_244 = tpu.vector_load %arg4[%get3A_243] {strides = array<i32>} : memref<512xi32, #tpu.memory_space<vmem>>, vector<16xi32>,
    %add3A_245 = arith.constant 16 : i32
    %add3A_246 = vector.broadcast %add3A_245 : i32 to vector<16xi32>
    %add3A_247 = arith.addi %iota3A, %add3A_246 : vector<16xi32>
    tpu.vector_store_idx %arg6[%add3A_247, %get3A_244], %broadcast_in_dim3A_5 : memref<32x1000xi32, #tpu.memory_space<vmem>>[vector<16xi32>, vector<16xi32>], vector<16xi32>,
    %add3A_248 = arith.constant 288 : i32
    %add3A_249 = arith.addi %mul3A_2, %add3A_248 : i32
    %dma_start3A_250 = arith.constant 0 : i32
    %dma_start3A_251 = tpu.memref_slice %arg3[%add3A_249, %dma_start3A_250] : memref<16384x1000xi32, #tpu.memory_space<hbm>> -> memref<32x1000xi32, #tpu.memory_space<hbm>>
    %dma_start3A_252 = arith.constant 0 : i32
    %dma_start3A_253 = tpu.memref_slice %arg3[%add3A_249, %dma_start3A_252] : memref<16384x1000xi32, #tpu.memory_space<hbm>> -> memref<32x1000xi32, #tpu.memory_space<hbm>>
    tpu.enqueue_dma source(%arg6 : memref<32x1000xi32, #tpu.memory_space<vmem>>) target(%dma_start3A_253 : memref<32x1000xi32, #tpu.memory_space<hbm>>) target_semaphore(%arg8 : memref<!tpu.dma_semaphore, #tpu.memory_space<semaphore_mem>>)
    %dma_wait3A_254 = arith.constant 0 : i32
    %dma_wait3A_255 = tpu.memref_slice %arg3[%add3A_223, %dma_wait3A_254] : memref<16384x1000xi32, #tpu.memory_space<hbm>> -> memref<32x1000xi32, #tpu.memory_space<hbm>>
    %dma_wait3A_256 = arith.constant 0 : i32
    %dma_wait3A_257 = tpu.memref_slice %arg3[%add3A_223, %dma_wait3A_256] : memref<16384x1000xi32, #tpu.memory_space<hbm>> -> memref<32x1000xi32, #tpu.memory_space<hbm>>
    tpu.wait_dma2 semaphore(%arg7 : memref<!tpu.dma_semaphore, #tpu.memory_space<semaphore_mem>>) src(%arg5 : memref<32x1000xi32, #tpu.memory_space<vmem>>) dst(%dma_wait3A_257 : memref<32x1000xi32, #tpu.memory_space<hbm>>)
    %add3A_258 = arith.constant 0 : i32
    %add3A_259 = vector.broadcast %add3A_258 : i32 to vector<16xi32>
    %add3A_260 = arith.addi %iota3A, %add3A_259 : vector<16xi32>
    tpu.vector_store_idx %arg5[%add3A_260, %get3A_213], %broadcast_in_dim3A_3 : memref<32x1000xi32, #tpu.memory_space<vmem>>[vector<16xi32>, vector<16xi32>], vector<16xi32>,
    %add3A_261 = arith.constant 16 : i32
    %add3A_262 = vector.broadcast %add3A_261 : i32 to vector<16xi32>
    %add3A_263 = arith.addi %iota3A, %add3A_262 : vector<16xi32>
    tpu.vector_store_idx %arg5[%add3A_263, %get3A_218], %broadcast_in_dim3A_3 : memref<32x1000xi32, #tpu.memory_space<vmem>>[vector<16xi32>, vector<16xi32>], vector<16xi32>,
    %get3A_264 = arith.constant 320 : index
    %get3A_265 = tpu.vector_load %arg4[%get3A_264] {strides = array<i32>} : memref<512xi32, #tpu.memory_space<vmem>>, vector<16xi32>,
    %add3A_266 = arith.constant 0 : i32
    %add3A_267 = vector.broadcast %add3A_266 : i32 to vector<16xi32>
    %add3A_268 = arith.addi %iota3A, %add3A_267 : vector<16xi32>
    tpu.vector_store_idx %arg5[%add3A_268, %get3A_265], %broadcast_in_dim3A_5 : memref<32x1000xi32, #tpu.memory_space<vmem>>[vector<16xi32>, vector<16xi32>], vector<16xi32>,
    %get3A_269 = arith.constant 336 : index
    %get3A_270 = tpu.vector_load %arg4[%get3A_269] {strides = array<i32>} : memref<512xi32, #tpu.memory_space<vmem>>, vector<16xi32>,
    %add3A_271 = arith.constant 16 : i32
    %add3A_272 = vector.broadcast %add3A_271 : i32 to vector<16xi32>
    %add3A_273 = arith.addi %iota3A, %add3A_272 : vector<16xi32>
    tpu.vector_store_idx %arg5[%add3A_273, %get3A_270], %broadcast_in_dim3A_5 : memref<32x1000xi32, #tpu.memory_space<vmem>>[vector<16xi32>, vector<16xi32>], vector<16xi32>,
    %add3A_274 = arith.constant 320 : i32
    %add3A_275 = arith.addi %mul3A_2, %add3A_274 : i32
    %dma_start3A_276 = arith.constant 0 : i32
    %dma_start3A_277 = tpu.memref_slice %arg3[%add3A_275, %dma_start3A_276] : memref<16384x1000xi32, #tpu.memory_space<hbm>> -> memref<32x1000xi32, #tpu.memory_space<hbm>>
    %dma_start3A_278 = arith.constant 0 : i32
    %dma_start3A_279 = tpu.memref_slice %arg3[%add3A_275, %dma_start3A_278] : memref<16384x1000xi32, #tpu.memory_space<hbm>> -> memref<32x1000xi32, #tpu.memory_space<hbm>>
    tpu.enqueue_dma source(%arg5 : memref<32x1000xi32, #tpu.memory_space<vmem>>) target(%dma_start3A_279 : memref<32x1000xi32, #tpu.memory_space<hbm>>) target_semaphore(%arg7 : memref<!tpu.dma_semaphore, #tpu.memory_space<semaphore_mem>>)
    %dma_wait3A_280 = arith.constant 0 : i32
    %dma_wait3A_281 = tpu.memref_slice %arg3[%add3A_249, %dma_wait3A_280] : memref<16384x1000xi32, #tpu.memory_space<hbm>> -> memref<32x1000xi32, #tpu.memory_space<hbm>>
    %dma_wait3A_282 = arith.constant 0 : i32
    %dma_wait3A_283 = tpu.memref_slice %arg3[%add3A_249, %dma_wait3A_282] : memref<16384x1000xi32, #tpu.memory_space<hbm>> -> memref<32x1000xi32, #tpu.memory_space<hbm>>
    tpu.wait_dma2 semaphore(%arg8 : memref<!tpu.dma_semaphore, #tpu.memory_space<semaphore_mem>>) src(%arg6 : memref<32x1000xi32, #tpu.memory_space<vmem>>) dst(%dma_wait3A_283 : memref<32x1000xi32, #tpu.memory_space<hbm>>)
    %add3A_284 = arith.constant 0 : i32
    %add3A_285 = vector.broadcast %add3A_284 : i32 to vector<16xi32>
    %add3A_286 = arith.addi %iota3A, %add3A_285 : vector<16xi32>
    tpu.vector_store_idx %arg6[%add3A_286, %get3A_239], %broadcast_in_dim3A_3 : memref<32x1000xi32, #tpu.memory_space<vmem>>[vector<16xi32>, vector<16xi32>], vector<16xi32>,
    %add3A_287 = arith.constant 16 : i32
    %add3A_288 = vector.broadcast %add3A_287 : i32 to vector<16xi32>
    %add3A_289 = arith.addi %iota3A, %add3A_288 : vector<16xi32>
    tpu.vector_store_idx %arg6[%add3A_289, %get3A_244], %broadcast_in_dim3A_3 : memref<32x1000xi32, #tpu.memory_space<vmem>>[vector<16xi32>, vector<16xi32>], vector<16xi32>,
    %get3A_290 = arith.constant 352 : index
    %get3A_291 = tpu.vector_load %arg4[%get3A_290] {strides = array<i32>} : memref<512xi32, #tpu.memory_space<vmem>>, vector<16xi32>,
    %add3A_292 = arith.constant 0 : i32
    %add3A_293 = vector.broadcast %add3A_292 : i32 to vector<16xi32>
    %add3A_294 = arith.addi %iota3A, %add3A_293 : vector<16xi32>
    tpu.vector_store_idx %arg6[%add3A_294, %get3A_291], %broadcast_in_dim3A_5 : memref<32x1000xi32, #tpu.memory_space<vmem>>[vector<16xi32>, vector<16xi32>], vector<16xi32>,
    %get3A_295 = arith.constant 368 : index
    %get3A_296 = tpu.vector_load %arg4[%get3A_295] {strides = array<i32>} : memref<512xi32, #tpu.memory_space<vmem>>, vector<16xi32>,
    %add3A_297 = arith.constant 16 : i32
    %add3A_298 = vector.broadcast %add3A_297 : i32 to vector<16xi32>
    %add3A_299 = arith.addi %iota3A, %add3A_298 : vector<16xi32>
    tpu.vector_store_idx %arg6[%add3A_299, %get3A_296], %broadcast_in_dim3A_5 : memref<32x1000xi32, #tpu.memory_space<vmem>>[vector<16xi32>, vector<16xi32>], vector<16xi32>,
    %add3A_300 = arith.constant 352 : i32
    %add3A_301 = arith.addi %mul3A_2, %add3A_300 : i32
    %dma_start3A_302 = arith.constant 0 : i32
    %dma_start3A_303 = tpu.memref_slice %arg3[%add3A_301, %dma_start3A_302] : memref<16384x1000xi32, #tpu.memory_space<hbm>> -> memref<32x1000xi32, #tpu.memory_space<hbm>>
    %dma_start3A_304 = arith.constant 0 : i32
    %dma_start3A_305 = tpu.memref_slice %arg3[%add3A_301, %dma_start3A_304] : memref<16384x1000xi32, #tpu.memory_space<hbm>> -> memref<32x1000xi32, #tpu.memory_space<hbm>>
    tpu.enqueue_dma source(%arg6 : memref<32x1000xi32, #tpu.memory_space<vmem>>) target(%dma_start3A_305 : memref<32x1000xi32, #tpu.memory_space<hbm>>) target_semaphore(%arg8 : memref<!tpu.dma_semaphore, #tpu.memory_space<semaphore_mem>>)
    %dma_wait3A_306 = arith.constant 0 : i32
    %dma_wait3A_307 = tpu.memref_slice %arg3[%add3A_275, %dma_wait3A_306] : memref<16384x1000xi32, #tpu.memory_space<hbm>> -> memref<32x1000xi32, #tpu.memory_space<hbm>>
    %dma_wait3A_308 = arith.constant 0 : i32
    %dma_wait3A_309 = tpu.memref_slice %arg3[%add3A_275, %dma_wait3A_308] : memref<16384x1000xi32, #tpu.memory_space<hbm>> -> memref<32x1000xi32, #tpu.memory_space<hbm>>
    tpu.wait_dma2 semaphore(%arg7 : memref<!tpu.dma_semaphore, #tpu.memory_space<semaphore_mem>>) src(%arg5 : memref<32x1000xi32, #tpu.memory_space<vmem>>) dst(%dma_wait3A_309 : memref<32x1000xi32, #tpu.memory_space<hbm>>)
    %add3A_310 = arith.constant 0 : i32
    %add3A_311 = vector.broadcast %add3A_310 : i32 to vector<16xi32>
    %add3A_312 = arith.addi %iota3A, %add3A_311 : vector<16xi32>
    tpu.vector_store_idx %arg5[%add3A_312, %get3A_265], %broadcast_in_dim3A_3 : memref<32x1000xi32, #tpu.memory_space<vmem>>[vector<16xi32>, vector<16xi32>], vector<16xi32>,
    %add3A_313 = arith.constant 16 : i32
    %add3A_314 = vector.broadcast %add3A_313 : i32 to vector<16xi32>
    %add3A_315 = arith.addi %iota3A, %add3A_314 : vector<16xi32>
    tpu.vector_store_idx %arg5[%add3A_315, %get3A_270], %broadcast_in_dim3A_3 : memref<32x1000xi32, #tpu.memory_space<vmem>>[vector<16xi32>, vector<16xi32>], vector<16xi32>,
    %get3A_316 = arith.constant 384 : index
    %get3A_317 = tpu.vector_load %arg4[%get3A_316] {strides = array<i32>} : memref<512xi32, #tpu.memory_space<vmem>>, vector<16xi32>,
    %add3A_318 = arith.constant 0 : i32
    %add3A_319 = vector.broadcast %add3A_318 : i32 to vector<16xi32>
    %add3A_320 = arith.addi %iota3A, %add3A_319 : vector<16xi32>
    tpu.vector_store_idx %arg5[%add3A_320, %get3A_317], %broadcast_in_dim3A_5 : memref<32x1000xi32, #tpu.memory_space<vmem>>[vector<16xi32>, vector<16xi32>], vector<16xi32>,
    %get3A_321 = arith.constant 400 : index
    %get3A_322 = tpu.vector_load %arg4[%get3A_321] {strides = array<i32>} : memref<512xi32, #tpu.memory_space<vmem>>, vector<16xi32>,
    %add3A_323 = arith.constant 16 : i32
    %add3A_324 = vector.broadcast %add3A_323 : i32 to vector<16xi32>
    %add3A_325 = arith.addi %iota3A, %add3A_324 : vector<16xi32>
    tpu.vector_store_idx %arg5[%add3A_325, %get3A_322], %broadcast_in_dim3A_5 : memref<32x1000xi32, #tpu.memory_space<vmem>>[vector<16xi32>, vector<16xi32>], vector<16xi32>,
    %add3A_326 = arith.constant 384 : i32
    %add3A_327 = arith.addi %mul3A_2, %add3A_326 : i32
    %dma_start3A_328 = arith.constant 0 : i32
    %dma_start3A_329 = tpu.memref_slice %arg3[%add3A_327, %dma_start3A_328] : memref<16384x1000xi32, #tpu.memory_space<hbm>> -> memref<32x1000xi32, #tpu.memory_space<hbm>>
    %dma_start3A_330 = arith.constant 0 : i32
    %dma_start3A_331 = tpu.memref_slice %arg3[%add3A_327, %dma_start3A_330] : memref<16384x1000xi32, #tpu.memory_space<hbm>> -> memref<32x1000xi32, #tpu.memory_space<hbm>>
    tpu.enqueue_dma source(%arg5 : memref<32x1000xi32, #tpu.memory_space<vmem>>) target(%dma_start3A_331 : memref<32x1000xi32, #tpu.memory_space<hbm>>) target_semaphore(%arg7 : memref<!tpu.dma_semaphore, #tpu.memory_space<semaphore_mem>>)
    %dma_wait3A_332 = arith.constant 0 : i32
    %dma_wait3A_333 = tpu.memref_slice %arg3[%add3A_301, %dma_wait3A_332] : memref<16384x1000xi32, #tpu.memory_space<hbm>> -> memref<32x1000xi32, #tpu.memory_space<hbm>>
    %dma_wait3A_334 = arith.constant 0 : i32
    %dma_wait3A_335 = tpu.memref_slice %arg3[%add3A_301, %dma_wait3A_334] : memref<16384x1000xi32, #tpu.memory_space<hbm>> -> memref<32x1000xi32, #tpu.memory_space<hbm>>
    tpu.wait_dma2 semaphore(%arg8 : memref<!tpu.dma_semaphore, #tpu.memory_space<semaphore_mem>>) src(%arg6 : memref<32x1000xi32, #tpu.memory_space<vmem>>) dst(%dma_wait3A_335 : memref<32x1000xi32, #tpu.memory_space<hbm>>)
    %add3A_336 = arith.constant 0 : i32
    %add3A_337 = vector.broadcast %add3A_336 : i32 to vector<16xi32>
    %add3A_338 = arith.addi %iota3A, %add3A_337 : vector<16xi32>
    tpu.vector_store_idx %arg6[%add3A_338, %get3A_291], %broadcast_in_dim3A_3 : memref<32x1000xi32, #tpu.memory_space<vmem>>[vector<16xi32>, vector<16xi32>], vector<16xi32>,
    %add3A_339 = arith.constant 16 : i32
    %add3A_340 = vector.broadcast %add3A_339 : i32 to vector<16xi32>
    %add3A_341 = arith.addi %iota3A, %add3A_340 : vector<16xi32>
    tpu.vector_store_idx %arg6[%add3A_341, %get3A_296], %broadcast_in_dim3A_3 : memref<32x1000xi32, #tpu.memory_space<vmem>>[vector<16xi32>, vector<16xi32>], vector<16xi32>,
    %get3A_342 = arith.constant 416 : index
    %get3A_343 = tpu.vector_load %arg4[%get3A_342] {strides = array<i32>} : memref<512xi32, #tpu.memory_space<vmem>>, vector<16xi32>,
    %add3A_344 = arith.constant 0 : i32
    %add3A_345 = vector.broadcast %add3A_344 : i32 to vector<16xi32>
    %add3A_346 = arith.addi %iota3A, %add3A_345 : vector<16xi32>
    tpu.vector_store_idx %arg6[%add3A_346, %get3A_343], %broadcast_in_dim3A_5 : memref<32x1000xi32, #tpu.memory_space<vmem>>[vector<16xi32>, vector<16xi32>], vector<16xi32>,
    %get3A_347 = arith.constant 432 : index
    %get3A_348 = tpu.vector_load %arg4[%get3A_347] {strides = array<i32>} : memref<512xi32, #tpu.memory_space<vmem>>, vector<16xi32>,
    %add3A_349 = arith.constant 16 : i32
    %add3A_350 = vector.broadcast %add3A_349 : i32 to vector<16xi32>
    %add3A_351 = arith.addi %iota3A, %add3A_350 : vector<16xi32>
    tpu.vector_store_idx %arg6[%add3A_351, %get3A_348], %broadcast_in_dim3A_5 : memref<32x1000xi32, #tpu.memory_space<vmem>>[vector<16xi32>, vector<16xi32>], vector<16xi32>,
    %add3A_352 = arith.constant 416 : i32
    %add3A_353 = arith.addi %mul3A_2, %add3A_352 : i32
    %dma_start3A_354 = arith.constant 0 : i32
    %dma_start3A_355 = tpu.memref_slice %arg3[%add3A_353, %dma_start3A_354] : memref<16384x1000xi32, #tpu.memory_space<hbm>> -> memref<32x1000xi32, #tpu.memory_space<hbm>>
    %dma_start3A_356 = arith.constant 0 : i32
    %dma_start3A_357 = tpu.memref_slice %arg3[%add3A_353, %dma_start3A_356] : memref<16384x1000xi32, #tpu.memory_space<hbm>> -> memref<32x1000xi32, #tpu.memory_space<hbm>>
    tpu.enqueue_dma source(%arg6 : memref<32x1000xi32, #tpu.memory_space<vmem>>) target(%dma_start3A_357 : memref<32x1000xi32, #tpu.memory_space<hbm>>) target_semaphore(%arg8 : memref<!tpu.dma_semaphore, #tpu.memory_space<semaphore_mem>>)
    %dma_wait3A_358 = arith.constant 0 : i32
    %dma_wait3A_359 = tpu.memref_slice %arg3[%add3A_327, %dma_wait3A_358] : memref<16384x1000xi32, #tpu.memory_space<hbm>> -> memref<32x1000xi32, #tpu.memory_space<hbm>>
    %dma_wait3A_360 = arith.constant 0 : i32
    %dma_wait3A_361 = tpu.memref_slice %arg3[%add3A_327, %dma_wait3A_360] : memref<16384x1000xi32, #tpu.memory_space<hbm>> -> memref<32x1000xi32, #tpu.memory_space<hbm>>
    tpu.wait_dma2 semaphore(%arg7 : memref<!tpu.dma_semaphore, #tpu.memory_space<semaphore_mem>>) src(%arg5 : memref<32x1000xi32, #tpu.memory_space<vmem>>) dst(%dma_wait3A_361 : memref<32x1000xi32, #tpu.memory_space<hbm>>)
    %add3A_362 = arith.constant 0 : i32
    %add3A_363 = vector.broadcast %add3A_362 : i32 to vector<16xi32>
    %add3A_364 = arith.addi %iota3A, %add3A_363 : vector<16xi32>
    tpu.vector_store_idx %arg5[%add3A_364, %get3A_317], %broadcast_in_dim3A_3 : memref<32x1000xi32, #tpu.memory_space<vmem>>[vector<16xi32>, vector<16xi32>], vector<16xi32>,
    %add3A_365 = arith.constant 16 : i32
    %add3A_366 = vector.broadcast %add3A_365 : i32 to vector<16xi32>
    %add3A_367 = arith.addi %iota3A, %add3A_366 : vector<16xi32>
    tpu.vector_store_idx %arg5[%add3A_367, %get3A_322], %broadcast_in_dim3A_3 : memref<32x1000xi32, #tpu.memory_space<vmem>>[vector<16xi32>, vector<16xi32>], vector<16xi32>,
    %get3A_368 = arith.constant 448 : index
    %get3A_369 = tpu.vector_load %arg4[%get3A_368] {strides = array<i32>} : memref<512xi32, #tpu.memory_space<vmem>>, vector<16xi32>,
    %add3A_370 = arith.constant 0 : i32
    %add3A_371 = vector.broadcast %add3A_370 : i32 to vector<16xi32>
    %add3A_372 = arith.addi %iota3A, %add3A_371 : vector<16xi32>
    tpu.vector_store_idx %arg5[%add3A_372, %get3A_369], %broadcast_in_dim3A_5 : memref<32x1000xi32, #tpu.memory_space<vmem>>[vector<16xi32>, vector<16xi32>], vector<16xi32>,
    %get3A_373 = arith.constant 464 : index
    %get3A_374 = tpu.vector_load %arg4[%get3A_373] {strides = array<i32>} : memref<512xi32, #tpu.memory_space<vmem>>, vector<16xi32>,
    %add3A_375 = arith.constant 16 : i32
    %add3A_376 = vector.broadcast %add3A_375 : i32 to vector<16xi32>
    %add3A_377 = arith.addi %iota3A, %add3A_376 : vector<16xi32>
    tpu.vector_store_idx %arg5[%add3A_377, %get3A_374], %broadcast_in_dim3A_5 : memref<32x1000xi32, #tpu.memory_space<vmem>>[vector<16xi32>, vector<16xi32>], vector<16xi32>,
    %add3A_378 = arith.constant 448 : i32
    %add3A_379 = arith.addi %mul3A_2, %add3A_378 : i32
    %dma_start3A_380 = arith.constant 0 : i32
    %dma_start3A_381 = tpu.memref_slice %arg3[%add3A_379, %dma_start3A_380] : memref<16384x1000xi32, #tpu.memory_space<hbm>> -> memref<32x1000xi32, #tpu.memory_space<hbm>>
    %dma_start3A_382 = arith.constant 0 : i32
    %dma_start3A_383 = tpu.memref_slice %arg3[%add3A_379, %dma_start3A_382] : memref<16384x1000xi32, #tpu.memory_space<hbm>> -> memref<32x1000xi32, #tpu.memory_space<hbm>>
    tpu.enqueue_dma source(%arg5 : memref<32x1000xi32, #tpu.memory_space<vmem>>) target(%dma_start3A_383 : memref<32x1000xi32, #tpu.memory_space<hbm>>) target_semaphore(%arg7 : memref<!tpu.dma_semaphore, #tpu.memory_space<semaphore_mem>>)
    %dma_wait3A_384 = arith.constant 0 : i32
    %dma_wait3A_385 = tpu.memref_slice %arg3[%add3A_353, %dma_wait3A_384] : memref<16384x1000xi32, #tpu.memory_space<hbm>> -> memref<32x1000xi32, #tpu.memory_space<hbm>>
    %dma_wait3A_386 = arith.constant 0 : i32
    %dma_wait3A_387 = tpu.memref_slice %arg3[%add3A_353, %dma_wait3A_386] : memref<16384x1000xi32, #tpu.memory_space<hbm>> -> memref<32x1000xi32, #tpu.memory_space<hbm>>
    tpu.wait_dma2 semaphore(%arg8 : memref<!tpu.dma_semaphore, #tpu.memory_space<semaphore_mem>>) src(%arg6 : memref<32x1000xi32, #tpu.memory_space<vmem>>) dst(%dma_wait3A_387 : memref<32x1000xi32, #tpu.memory_space<hbm>>)
    %add3A_388 = arith.constant 0 : i32
    %add3A_389 = vector.broadcast %add3A_388 : i32 to vector<16xi32>
    %add3A_390 = arith.addi %iota3A, %add3A_389 : vector<16xi32>
    tpu.vector_store_idx %arg6[%add3A_390, %get3A_343], %broadcast_in_dim3A_3 : memref<32x1000xi32, #tpu.memory_space<vmem>>[vector<16xi32>, vector<16xi32>], vector<16xi32>,
    %add3A_391 = arith.constant 16 : i32
    %add3A_392 = vector.broadcast %add3A_391 : i32 to vector<16xi32>
    %add3A_393 = arith.addi %iota3A, %add3A_392 : vector<16xi32>
    tpu.vector_store_idx %arg6[%add3A_393, %get3A_348], %broadcast_in_dim3A_3 : memref<32x1000xi32, #tpu.memory_space<vmem>>[vector<16xi32>, vector<16xi32>], vector<16xi32>,
    %get3A_394 = arith.constant 480 : index
    %get3A_395 = tpu.vector_load %arg4[%get3A_394] {strides = array<i32>} : memref<512xi32, #tpu.memory_space<vmem>>, vector<16xi32>,
    %add3A_396 = arith.constant 0 : i32
    %add3A_397 = vector.broadcast %add3A_396 : i32 to vector<16xi32>
    %add3A_398 = arith.addi %iota3A, %add3A_397 : vector<16xi32>
    tpu.vector_store_idx %arg6[%add3A_398, %get3A_395], %broadcast_in_dim3A_5 : memref<32x1000xi32, #tpu.memory_space<vmem>>[vector<16xi32>, vector<16xi32>], vector<16xi32>,
    %get3A_399 = arith.constant 496 : index
    %get3A_400 = tpu.vector_load %arg4[%get3A_399] {strides = array<i32>} : memref<512xi32, #tpu.memory_space<vmem>>, vector<16xi32>,
    %add3A_401 = arith.constant 16 : i32
    %add3A_402 = vector.broadcast %add3A_401 : i32 to vector<16xi32>
    %add3A_403 = arith.addi %iota3A, %add3A_402 : vector<16xi32>
    tpu.vector_store_idx %arg6[%add3A_403, %get3A_400], %broadcast_in_dim3A_5 : memref<32x1000xi32, #tpu.memory_space<vmem>>[vector<16xi32>, vector<16xi32>], vector<16xi32>,
    %add3A_404 = arith.constant 480 : i32
    %add3A_405 = arith.addi %mul3A_2, %add3A_404 : i32
    %dma_start3A_406 = arith.constant 0 : i32
    %dma_start3A_407 = tpu.memref_slice %arg3[%add3A_405, %dma_start3A_406] : memref<16384x1000xi32, #tpu.memory_space<hbm>> -> memref<32x1000xi32, #tpu.memory_space<hbm>>
    %dma_start3A_408 = arith.constant 0 : i32
    %dma_start3A_409 = tpu.memref_slice %arg3[%add3A_405, %dma_start3A_408] : memref<16384x1000xi32, #tpu.memory_space<hbm>> -> memref<32x1000xi32, #tpu.memory_space<hbm>>
    tpu.enqueue_dma source(%arg6 : memref<32x1000xi32, #tpu.memory_space<vmem>>) target(%dma_start3A_409 : memref<32x1000xi32, #tpu.memory_space<hbm>>) target_semaphore(%arg8 : memref<!tpu.dma_semaphore, #tpu.memory_space<semaphore_mem>>)
    %dma_wait3A_410 = arith.constant 0 : i32
    %dma_wait3A_411 = tpu.memref_slice %arg3[%add3A_379, %dma_wait3A_410] : memref<16384x1000xi32, #tpu.memory_space<hbm>> -> memref<32x1000xi32, #tpu.memory_space<hbm>>
    %dma_wait3A_412 = arith.constant 0 : i32
    %dma_wait3A_413 = tpu.memref_slice %arg3[%add3A_379, %dma_wait3A_412] : memref<16384x1000xi32, #tpu.memory_space<hbm>> -> memref<32x1000xi32, #tpu.memory_space<hbm>>
    tpu.wait_dma2 semaphore(%arg7 : memref<!tpu.dma_semaphore, #tpu.memory_space<semaphore_mem>>) src(%arg5 : memref<32x1000xi32, #tpu.memory_space<vmem>>) dst(%dma_wait3A_413 : memref<32x1000xi32, #tpu.memory_space<hbm>>)
    %dma_wait3A_414 = arith.constant 0 : i32
    %dma_wait3A_415 = tpu.memref_slice %arg3[%add3A_405, %dma_wait3A_414] : memref<16384x1000xi32, #tpu.memory_space<hbm>> -> memref<32x1000xi32, #tpu.memory_space<hbm>>
    %dma_wait3A_416 = arith.constant 0 : i32
    %dma_wait3A_417 = tpu.memref_slice %arg3[%add3A_405, %dma_wait3A_416] : memref<16384x1000xi32, #tpu.memory_space<hbm>> -> memref<32x1000xi32, #tpu.memory_space<hbm>>
    tpu.wait_dma2 semaphore(%arg8 : memref<!tpu.dma_semaphore, #tpu.memory_space<semaphore_mem>>) src(%arg6 : memref<32x1000xi32, #tpu.memory_space<vmem>>) dst(%dma_wait3A_417 : memref<32x1000xi32, #tpu.memory_space<hbm>>)
    return
  }
}

</mosaic_0001>

<sc_bundles>
// kernel: kernel.3.cloned.1.call-start
scs
__scs_entry_jumppad:
0x0: {  	(pc) =	sbr.rel $0x88, $3  }
0x1: {  	(tag) =	ssettag $0x0;
	lr =	simm.s32 $0x1  }
0x2: {  	[smem:$0x3FA0] =	sst lr;
	_ =	strace $0xD0000000  }
0x3: {  	_ = 	snop  }
0x4: {  	_ = 	snop  }
0x5: {  	_ = 	snop  }
0x6: {  	_ = 	snop  }
0x7: {  	_ = 	snop  }
__scs_overlays_trampoline_lowered:
0x8: {  	[smem:$0x3FAF] =	sst s0  }
0x9: {  	[smem:$0x3FB0] =	sst s1  }
0xa: {  	[smem:$0x3FB1] =	sst s2  }
0xb: {  	[smem:$0x3FB2] =	sst s3  }
0xc: {  	[smem:$0x3FB3] =	sst s4  }
0xd: {  	[smem:$0x3FB4] =	sst s5  }
0xe: {  	[smem:$0x3FB5] =	sst s6  }
0xf: {  	[smem:$0x3FB6] =	sst s7  }
0x10: {  	[smem:$0x3FB7] =	sst s8  }
0x11: {  	[smem:$0x3FB8] =	sst s9;
	s0 =	simm.s32 @!p0 $0x0  }
0x12: {  	s1 =	sld [smem:$0x3F9E];
	s0 =	simm.s32 @p0 $0x1  }
0x13: {  	[smem:$0x3FB9] =	sst s0;
	s0 =	simm.s32 @!p1 $0x0  }
0x14: {  	s2 =	sld [smem:$0x3F9D];
	s0 =	simm.s32 @p1 $0x1  }
0x15: {  	[smem:$0x3FBA] =	sst s0;
	s0 =	simm.s32 @!p2 $0x0  }
0x16: {  	s3 =	sld [smem:$0x3FDB];
	s0 =	simm.s32 @p2 $0x1  }
0x17: {  	s4 =	simm.s32 $0x1BF5;
	[smem:$0x3FBC] =	sst s0  }
0x18: {  	s0 =	sld [smem:$0x3F9F];
	_ =	swait.ge [sflag:s4], $0x0  }
0x19: {  	s7 =	sld [smem:$0x3FA0]  }
0x1a: {  	s8 =	sadd.s32 $0xFFFFE003, lr  }
0x1b: {  	s9 =	sadd.s32 $0xFFFFFEF7, lr;
	s5 =	simm.s32 $0xFFFFFFFF;
	p2 =	slt.u32 s8, $0xFFFFF086  }
0x1c: {  	p1 =	slt.u32 s9, $0xF7A;
	s5 =	simm.s32 @!p2 $0x0  }
0x1d: {  	s5 =	simm.s32 @p1 $0x1;
	p0 =	seq.s32 s7, s2  }
0x1e: {  	s7 =	smul.u32 @!p0 $0xF7A, s2;
	p2 =	seq.s32 @!p0 s5, $0x0  }
0x1f: {  	s9 =	smul.u32 $0xF7A, s1;
	s8 =	simm.s32 @!p0 $0x1BF5;
	p2 =	por !p2, p0  }
0x20: {  	[sflag:s8] =	ssyncset.s32 @!p0 $0xFFFFF086;
	s6 =	sadd.s32 @!p0 s3, s7;
	s7 =	simm.s32 @!p0 $0x108  }
0x21: {  	s3 =	sadd.s32 s3, s9;
	s6 =	sadd.s32 @!p0 $0x88, s6;
	s7 =	simm.s32 @p2 $0x1082  }
0x22: {  	[simem:s7], [sflag:s8] =	dma.local @!p0 [hbm:s6], $0xF7A  }
0x23: {  	s9 =	sor.u32 $0xD0000000, s2;
	s6 =	simm.s32 $0x108;
	_ =	swait.ge @!p0 [sflag:s8], $0x0  }
0x24: {  	s3 =	sadd.s32 $0x88, s3;
	s6 =	simm.s32 @!p1 $0x1082;
	[sflag:s4] =	ssyncset.s32 $0xFFFFF086  }
0x25: {  	[simem:s6], [sflag:s4] =	dma.local [hbm:s3], $0xF7A  }
0x26: {  	[smem:$0x3FA0] =	sst s1;
	(tag) =	ssettag s2;
	_ =	strace s9  }
0x27: {  	s1 =	sld [smem:$0x3FB0]  }
0x28: {  	s2 =	sld [smem:$0x3FB1]  }
0x29: {  	s4 =	sld [smem:$0x3FB3]  }
0x2a: {  	p0 =	seq.s32 s5, $0x0;
	s5 =	sld [smem:$0x3FB4]  }
0x2b: {  	s6 =	sld [smem:$0x3FB5]  }
0x2c: {  	s7 =	sld [smem:$0x3FB6]  }
0x2d: {  	s3 =	simm.s32 $0x108;
	s8 =	sld [smem:$0x3FB7]  }
0x2e: {  	s3 =	simm.s32 @!p0 $0x1082;
	s9 =	sld [smem:$0x3FB8]  }
0x2f: {  	lr =	sadd.s32 s0, s3;
	s0 =	sld [smem:$0x3FAF]  }
0x30: {  	s3 =	sld [smem:$0x3FB2]  }
0x31: {  	[smem:$0x3FBB] =	sst s10  }
0x32: {  	s10 =	sld [smem:$0x3FB9];
	_ =	sdelay $0x3  }
0x33: {  	p0 =	seq.s32 s10, $0x1;
	s10 =	sld [smem:$0x3FBB];
	_ =	sdelay $0x3  }
0x34: {  	[smem:$0x3FBB] =	sst s10  }
0x35: {  	s10 =	sld [smem:$0x3FBA];
	_ =	sdelay $0x3  }
0x36: {  	p1 =	seq.s32 s10, $0x1;
	s10 =	sld [smem:$0x3FBB];
	_ =	sdelay $0x3  }
0x37: {  	[smem:$0x3FBB] =	sst s10  }
0x38: {  	s10 =	sld [smem:$0x3FBC]  }
0x39: {  	_ = 	snop;
	(pc) =	sbr.ind lr, $3  }
0x3a: {  	_ = 	snop  }
0x3b: {  	_ = 	snop  }
0x3c: {  	p2 =	seq.s32 s10, $0x1;
	s10 =	sld [smem:$0x3FBB]  }
0x3d: {  	_ =	shalt  }
0x3e: {  	_ =	shalt  }
0x3f: {  	_ =	shalt  }
0x40: {  	_ =	shalt  }
0x41: {  	_ =	shalt  }
0x42: {  	_ =	shalt  }
0x43: {  	_ =	shalt  }
0x44: {  	_ =	shalt  }
0x45: {  	_ =	shalt  }
0x46: {  	_ =	shalt  }
0x47: {  	_ =	shalt  }
0x48: {  	_ =	shalt  }
0x49: {  	_ =	shalt  }
0x4a: {  	_ =	shalt  }
0x4b: {  	_ =	shalt  }
0x4c: {  	_ =	shalt  }
0x4d: {  	_ =	shalt  }
0x4e: {  	_ =	shalt  }
0x4f: {  	_ =	shalt  }
0x50: {  	_ =	shalt  }
0x51: {  	_ =	shalt  }
0x52: {  	_ =	shalt  }
0x53: {  	_ =	shalt  }
0x54: {  	_ =	shalt  }
0x55: {  	_ =	shalt  }
0x56: {  	_ =	shalt  }
0x57: {  	_ =	shalt  }
0x58: {  	_ =	shalt  }
0x59: {  	_ =	shalt  }
0x5a: {  	_ =	shalt  }
0x5b: {  	_ =	shalt  }
0x5c: {  	_ =	shalt  }
0x5d: {  	_ =	shalt  }
0x5e: {  	_ =	shalt  }
0x5f: {  	_ =	shalt  }
0x60: {  	_ =	shalt  }
0x61: {  	_ =	shalt  }
0x62: {  	_ =	shalt  }
0x63: {  	_ =	shalt  }
0x64: {  	_ =	shalt  }
0x65: {  	_ =	shalt  }
0x66: {  	_ =	shalt  }
0x67: {  	_ =	shalt  }
0x68: {  	_ =	shalt  }
0x69: {  	_ =	shalt  }
0x6a: {  	_ =	shalt  }
0x6b: {  	_ =	shalt  }
0x6c: {  	_ =	shalt  }
0x6d: {  	_ =	shalt  }
0x6e: {  	_ =	shalt  }
0x6f: {  	_ =	shalt  }
0x70: {  	_ =	shalt  }
0x71: {  	_ =	shalt  }
0x72: {  	_ =	shalt  }
0x73: {  	_ =	shalt  }
0x74: {  	_ =	shalt  }
0x75: {  	_ =	shalt  }
0x76: {  	_ =	shalt  }
0x77: {  	_ =	shalt  }
0x78: {  	_ =	shalt  }
0x79: {  	_ =	shalt  }
0x7a: {  	_ =	shalt  }
0x7b: {  	_ =	shalt  }
0x7c: {  	_ =	shalt  }
0x7d: {  	_ =	shalt  }
0x7e: {  	_ =	shalt  }
0x7f: {  	_ =	shalt  }
0x80: {  	_ =	shalt  }
0x81: {  	_ =	shalt  }
0x82: {  	_ =	shalt  }
0x83: {  	_ =	shalt  }
0x84: {  	_ =	shalt  }
0x85: {  	_ =	shalt  }
0x86: {  	_ =	shalt  }
0x87: {  	_ =	shalt  }
.Lfunc_end0:
.L_simem_size_0:
called_computation_lowered:
.L_overlay_start_0:
0x88: {  	s2 =	sld [smem:$0x3FD9]  }
0x89: {  	s3 =	sld [smem:$0x3FFE];
	_ =	sdelay $0x1  }
0x8a: {  	s1 =	srdreg.scid  }
0x8b: {  	s0 =	sand.u32 $0x1, s1  }
0x8c: {  	s17 =	sshll.u32 s0, $0xA;
	s2 =	sadd.s32 s3, s2  }
0x8d: {  	s2 =	sadd.s32 s2, s17  }
0x8e: {  	[smem:$0x3FC7] =	sst s2  }
0x8f: {  	_ = 	snop  }
0x90: {  	s2 =	sld [smem:$0x3FC9];
	(tm) =	ssettm $0x1  }
0x91: {  	s18 =	sld [smem:$0x3FFB];
	_ =	sdelay $0x3  }
0x92: {  	_ =	strace s18  }
0x93: {  	s3 =	sld [smem:$0x3FFC];
	_ =	sdelay $0x3  }
0x94: {  	_ =	strace s3  }
0x95: {  	s3 =	sld [smem:$0x3FFD];
	_ =	sdelay $0x3  }
0x96: {  	_ =	strace s3  }
0x97: {  	_ =	strace $0x8FFFFFFF  }
0x98: {  	s19 =	sld [smem:$0x3FDB];
	_ =	sdelay $0x1  }
0x99: {  	s4 =	simm.s32 $_scs_section_size  }
0x9a: {  	s5 =	simm.s32 $_size__tile_overlayer_lowered;
	s6 =	simm.s32 $_tile_overlayer_lowered  }
0x9b: {  	s22 =	simm.s32 $0x1BFF;
	s21 =	sshll.u32 s6, $0x1;
	s3 =	sadd.s32 s4, s19  }
0x9c: {  	s7 =	simm.s32 $0x0;
	s20 =	sshll.u32 s5, $0x1;
	s5 =	sadd.s32 s21, s3  }
0x9d: {  	[timem:s7], [sflag:s22] =	dma.local [hbm:s5], s20  }
0x9e: {  	_ =	swait.ge [sflag:s22], s20  }
0x9f: {  	s4 =	ssub.s32 $0x0, s20;
	[sflag:s22] =	ssyncset.done $0x0  }
0xa0: {  	[sflag:s22] =	ssyncadd.s32 s4;
	_ =	sdelay $0x1  }
0xa1: {  	s23 =	simm.s32 $0x1B8B  }
0xa2: {  	_ =	swait.ge [sflag:s23], $0x1  }
0xa3: {  	[sflag:s23] =	ssyncset.done $0x0  }
0xa4: {  	s25 =	simm.s32 $0x1B8E;
	s24 =	sld [smem:$0x3FFE];
	[sflag:s23] =	ssyncadd.s32 $0xFFFFFFFF  }
0xa5: {  	s26 =	simm.s32 $execute0_lowered;
	[smem:$0x3FD2] =	sst s25  }
0xa6: {  	s5 =	sshll.u32 s26, $0x1;
	_ =	strace $0x80000046;
	[dreg:$0x1] =	wrdreg $0xFFFFFFFF  }
0xa7: {  	s28 =	simm.s32 $_size_execute0_lowered;
	s3 =	sadd.s32 s3, s5;
	[dreg:$0x0] =	wrdreg $0x0  }
0xa8: {  	s5 =	sshll.u32 s28, $0x1;
	[dreg:$0x2] =	wrdreg s3  }
0xa9: {  	[dreg:$0x3] =	wrdreg s5  }
0xaa: {  	[dreg:$0x4] =	wrdreg $0xC0  }
0xab: {  	_ =	task [dreg:s7], $0x5FFFF  }
0xac: {  	[dreg:$0x1] =	wrdreg $0xFFFFFFFF  }
0xad: {  	[dreg:$0x0] =	wrdreg $0x60  }
0xae: {  	[dreg:$0x2] =	wrdreg s2  }
0xaf: {  	[dreg:$0x3] =	wrdreg s24  }
0xb0: {  	[dreg:$0x4] =	wrdreg $0x9  }
0xb1: {  	_ =	task.clear_ibuf [dreg:s7], $0x5FFFF;
	_ =	strace $0x90000046  }
0xb2: {  	s29 =	simm.s32 $0x9;
	_ =	strace $0x80000048  }
0xb3: {  	_ =	swait.ge [sflag:s29], $0x1  }
0xb4: {  	[sflag:s29] =	ssyncadd.s32 $0xFFFFFFFF  }
0xb5: {  	_ =	strace $0x90000048  }
0xb6: {  	_ =	sfence  }
0xb7: {  	s30 =	sld [smem:$0x0];
	_ =	sdelay $0x2  }
0xb8: {  	s31 =	sshll.u32 s1, $0xD;
	s1 =	sshrl.u32 s1, $0x2  }
0xb9: {  	s3 =	sand.u32 $0x4000, s31;
	s1 =	sadd.s32 s1, s30  }
0xba: {  	s0 =	sor.u32 s3, s0;
	s1 =	sshll.u32 s1, $0x11  }
0xbb: {  	s0 =	sor.u32 s1, s0  }
0xbc: {  	s0 =	sadd.s32 $0x8F2B, s0  }
0xbd: {  	[sflag:s0] =	ssyncadd.remote.s32 $0x1  }
0xbe: {  	_ =	sfence.sel $0xFFFF  }
0xbf: {  	[dreg:$0x0] =	wrdreg $0xFFFFFFFF;
	(pc) =	sbr.abs _section_cstart, $3  }
0xc0: {  	[dreg:$0x1] =	wrdreg $0xFFFFFFFF  }
0xc1: {  	_ =	task.clear_ibuf [dreg:s7], $0x2FFFF;
	_ =	strace $0x9FFFFFFF  }
0xc2: {  	(tm) =	ssettm $0x7FFFFFFF  }
0xc3: {  	_ =	shalt  }
tec
execute0_lowered:
.L_overlay_start_1:
0x0: {  	(tag) =	ssettag $0x1  }
0x1: {  	v0 =	vimm.s32 $0x0  }
0x2: {  	v1 =	vimm.s32 $0x2380;
	vm0 =	vcmask $0x300;
	v2 =	vimm.s32 $0x6380  }
0x3: {  	s3 =	rddreg [dreg:$0x0];
	vm1 =	vcmask $0x704;
	v1 =	vsel vm0, $0x0, v1;
	v2 =	vsel vm0, $0x4000, v2  }
0x4: {  	s4 =	rddreg [dreg:$0x1];
	vm15 =	vcmask $0xB08;
	v1 =	vsel vm1, $0x80, v1;
	v2 =	vsel vm1, $0x4080, v2  }
0x5: {  	s2 =	srdreg.scid;
	s0 =	stileid.u32;
	vm4 =	vcmask $0xF0C;
	s21 =	simm.s32 $0x3;
	v1 =	vsel vm15, $0x100, v1;
	v2 =	vsel vm15, $0x4100, v2  }
0x6: {  	vm5 =	vcmask $0x1310;
	s22 =	simm.s32 $0x200;
	s23 =	simm.s32 $0x8200;
	s24 =	simm.s32 $0x1;
	v1 =	vsel vm4, $0x180, v1;
	v2 =	vsel vm4, $0x4180, v2  }
0x7: {  	vm6 =	vcmask $0x1714;
	s25 =	simm.s32 $0x2;
	s26 =	simm.s32 $0x0;
	s5 =	sand.u32 $0x1, s2;
	v1 =	vsel vm5, $0x200, v1;
	v2 =	vsel vm5, $0x4200, v2  }
0x8: {  	vm7 =	vcmask $0x1B18;
	s2 =	simm.s32 $0x0;
	s6 =	sshll.u32 s0, $0xA;
	s7 =	sshll.u32 s5, $0x9;
	v1 =	vsel vm6, $0x280, v1;
	v2 =	vsel vm6, $0x4280, v2  }
0x9: {  	vm8 =	vcmask $0x1F1C;
	[smem:$0x7FF] =	sst s2;
	s5 =	ssub.s32 $0x2, s5;
	s6 =	sor.u32 s7, s6;
	v1 =	vsel vm7, $0x300, v1;
	v2 =	vsel vm7, $0x4300, v2  }
0xa: {  	vm9 =	vcmask $0x2320;
	_ =	strace $0x80000047;
	s8 =	sshrl.u32 s5, $0x1;
	s7 =	sshll.u32 s6, $0x7;
	v1 =	vsel vm8, $0x380, v1;
	v2 =	vsel vm8, $0x4380, v2  }
0xb: {  	vm10 =	vcmask $0x2724;
	s20 =	ssub.s32 s5, s8;
	s31 =	sshrl.u32 s6, $0x3;
	s19 =	sadd.s32 s7, s4;
	v1 =	vsel vm9, $0x2000, v1;
	v2 =	vsel vm9, $0x6000, v2  }
0xc: {  	vm11 =	vcmask $0x2B28;
	s3 =	sadd.s32 s3, s31;
	s20 =	smax.u32 s20, $0x1;
	s4 =	sadd.s32 $0x400, s19;
	v1 =	vsel vm10, $0x2080, v1;
	v2 =	vsel vm10, $0x6080, v2  }
0xd: {  	vm12 =	vcmask $0x2F2C;
	s5 =	sadd.s32 $0x1400, s19;
	s6 =	sadd.s32 $0x2400, s19;
	s7 =	sadd.s32 $0x3400, s19;
	v1 =	vsel vm11, $0x2100, v1;
	v2 =	vsel vm11, $0x6100, v2  }
0xe: {  	vm13 =	vcmask $0x3330;
	s8 =	sadd.s32 $0x4400, s19;
	s9 =	sadd.s32 $0x5400, s19;
	s10 =	sadd.s32 $0x6400, s19;
	v1 =	vsel vm12, $0x2180, v1;
	v2 =	vsel vm12, $0x6180, v2  }
0xf: {  	vm14 =	vcmask $0x3734;
	s11 =	sadd.s32 $0x7400, s19;
	s12 =	sadd.s32 $0x8400, s19;
	s13 =	sadd.s32 $0x9400, s19;
	v1 =	vsel vm13, $0x2200, v1;
	v2 =	vsel vm13, $0x6200, v2  }
0x10: {  	vm15 =	vcmask $0x3B38;
	s14 =	sadd.s32 $0xA400, s19;
	s15 =	sadd.s32 $0xB400, s19;
	s16 =	sadd.s32 $0xC400, s19;
	v1 =	vsel vm14, $0x2280, v1;
	v3 =	vsel vm14, $0x6280, v2  }
0x11: {  	s17 =	sadd.s32 $0xD400, s19;
	s18 =	sadd.s32 $0xE400, s19;
	s19 =	sadd.s32 $0xF400, s19;
	v2 =	vimm.s32 $0x1;
	v1 =	vsel vm15, $0x2300, v1;
	v3 =	vsel vm15, $0x6300, v3  }
.LBB2_1:
0x12: {  	[tilespmem:s2], [sflag:$0x3] =	stream.linear.gather [hbm4b:s3+s2], $0x200, $0x38;
	[tilespmem:$0x10200] =	vst v63  }
0x13: {  	_ =	swait.ge [sflag:s21], $0x200  }
0x14: {  	s28 =	simm.s32 $0xFFFF8000;
	s29 =	simm.s32 $0x0;
	[sflag:s21] =	ssyncset.done $0x0  }
0x15: {  	s30 =	simm.s32 $0x0;
	s31 =	simm.s32 $0x0;
	[sflag:s21] =	ssyncadd.s32 $0xFFFFFE00  }
.LBB2_2:
0x16: {  	s0 =	sadd.s32 $0x8000, s28  }
0x17: {  	s1 =	sand.u32 $0x380, s31;
	s0 =	sand.u32 $0x6000, s0  }
0x18: {  	s0 =	sor.u32 s1, s0  }
0x19: {  	[tilespmem:s0+$0x200] =	vst v0  }
0x1a: {  	[tilespmem:s0+$0x210] =	vst v0  }
0x1b: {  	[tilespmem:s0+$0x220] =	vst v0  }
0x1c: {  	[tilespmem:s0+$0x230] =	vst v0  }
0x1d: {  	[tilespmem:s0+$0x240] =	vst v0  }
0x1e: {  	[tilespmem:s0+$0x250] =	vst v0  }
0x1f: {  	[tilespmem:s0+$0x260] =	vst v0  }
0x20: {  	[tilespmem:s0+$0x270] =	vst v0  }
0x21: {  	[tilespmem:s0+$0x600] =	vst v0  }
0x22: {  	[tilespmem:s0+$0x610] =	vst v0  }
0x23: {  	[tilespmem:s0+$0x620] =	vst v0  }
0x24: {  	[tilespmem:s0+$0x630] =	vst v0  }
0x25: {  	[tilespmem:s0+$0x640] =	vst v0  }
0x26: {  	[tilespmem:s0+$0x650] =	vst v0  }
0x27: {  	[tilespmem:s0+$0x660] =	vst v0  }
0x28: {  	[tilespmem:s0+$0x670] =	vst v0  }
0x29: {  	[tilespmem:s0+$0xA00] =	vst v0  }
0x2a: {  	[tilespmem:s0+$0xA10] =	vst v0  }
0x2b: {  	[tilespmem:s0+$0xA20] =	vst v0  }
0x2c: {  	[tilespmem:s0+$0xA30] =	vst v0  }
0x2d: {  	[tilespmem:s0+$0xA40] =	vst v0  }
0x2e: {  	[tilespmem:s0+$0xA50] =	vst v0  }
0x2f: {  	[tilespmem:s0+$0xA60] =	vst v0  }
0x30: {  	[tilespmem:s0+$0xA70] =	vst v0  }
0x31: {  	[tilespmem:s0+$0xE00] =	vst v0  }
0x32: {  	[tilespmem:s0+$0xE10] =	vst v0  }
0x33: {  	[tilespmem:s0+$0xE20] =	vst v0  }
0x34: {  	[tilespmem:s0+$0xE30] =	vst v0  }
0x35: {  	[tilespmem:s0+$0xE40] =	vst v0  }
0x36: {  	[tilespmem:s0+$0xE50] =	vst v0  }
0x37: {  	[tilespmem:s0+$0xE60] =	vst v0  }
0x38: {  	[tilespmem:s0+$0xE70] =	vst v0  }
0x39: {  	[tilespmem:s0+$0x1200] =	vst v0  }
0x3a: {  	[tilespmem:s0+$0x1210] =	vst v0  }
0x3b: {  	[tilespmem:s0+$0x1220] =	vst v0  }
0x3c: {  	[tilespmem:s0+$0x1230] =	vst v0  }
0x3d: {  	[tilespmem:s0+$0x1240] =	vst v0  }
0x3e: {  	[tilespmem:s0+$0x1250] =	vst v0  }
0x3f: {  	[tilespmem:s0+$0x1260] =	vst v0  }
0x40: {  	[tilespmem:s0+$0x1270] =	vst v0  }
0x41: {  	[tilespmem:s0+$0x1600] =	vst v0  }
0x42: {  	[tilespmem:s0+$0x1610] =	vst v0  }
0x43: {  	[tilespmem:s0+$0x1620] =	vst v0  }
0x44: {  	[tilespmem:s0+$0x1630] =	vst v0  }
0x45: {  	[tilespmem:s0+$0x1640] =	vst v0  }
0x46: {  	[tilespmem:s0+$0x1650] =	vst v0  }
0x47: {  	[tilespmem:s0+$0x1660] =	vst v0  }
0x48: {  	[tilespmem:s0+$0x1670] =	vst v0  }
0x49: {  	[tilespmem:s0+$0x1A00] =	vst v0  }
0x4a: {  	[tilespmem:s0+$0x1A10] =	vst v0  }
0x4b: {  	[tilespmem:s0+$0x1A20] =	vst v0  }
0x4c: {  	[tilespmem:s0+$0x1A30] =	vst v0  }
0x4d: {  	s1 =	sand.u32 $0x7, s29;
	[tilespmem:s0+$0x1A40] =	vst v0  }
0x4e: {  	s1 =	sshll.u32 s1, $0x7;
	[tilespmem:s0+$0x1A50] =	vst v0  }
0x4f: {  	[tilespmem:s0+$0x1A60] =	vst v0;
	s1 =	sadd.s32 s1, s30  }
0x50: {  	[tilespmem:s0+$0x1A70] =	vst v0;
	s0 =	sor.u32 $0x1C00, s1  }
0x51: {  	[tilespmem:s0+$0x200] =	vst v0;
	s0 =	sor.u32 $0x1C10, s1  }
0x52: {  	p0 =	sne.s32 s31, $0xF80;
	[tilespmem:s0+$0x200] =	vst v0;
	s0 =	sor.u32 $0x1C20, s1  }
.Ltmp0:
0x53: {  	[tilespmem:s0+$0x200] =	vst v0;
	s0 =	sor.u32 $0x1C30, s1;
	(pc) =	sbr.rel @p0 .LBB2_2-.Ltmp0, $4  }
0x54: {  	[tilespmem:s0+$0x200] =	vst v0;
	s0 =	sor.u32 $0x1C40, s1  }
0x55: {  	[tilespmem:s0+$0x200] =	vst v0;
	s0 =	sor.u32 $0x1C50, s1  }
0x56: {  	s28 =	sadd.s32 $0x400, s28;
	s1 =	sor.u32 $0x1C58, s1;
	[tilespmem:s0+$0x200] =	vst v0  }
0x57: {  	s31 =	sadd.s32 $0x80, s31;
	s29 =	sadd.s32 $0x1, s29;
	s30 =	sadd.s32 $0x400, s30;
	[tilespmem:s1+$0x200] =	vst v0  }
0x58: {  	v4 =	vld [tilespmem:$0x0];
	_ =	sdelay $0x4  }
0x59: {  	v5 =	vshll.u32 v4, $0x3  }
0x5a: {  	v4 =	vand.u32 $0x7F, v4;
	v5 =	vand.u32 $0xFFFFFC00, v5  }
0x5b: {  	v4 =	vor.u32 v4, v5  }
0x5c: {  	v4 =	vadd.s32 v1, v4;
	_ =	sdelay $0x4  }
0x5d: {  	[tilespmem:v4+s22+$0x0] =	vst.idx.msk $0xffff, v2  }
0x5e: {  	v5 =	vld [tilespmem:$0x10];
	_ =	sdelay $0x4  }
0x5f: {  	v6 =	vshll.u32 v5, $0x3  }
0x60: {  	v5 =	vand.u32 $0x7F, v5;
	v6 =	vand.u32 $0xFFFFFC00, v6  }
0x61: {  	v5 =	vor.u32 v5, v6  }
0x62: {  	v5 =	vadd.s32 v3, v5;
	_ =	sdelay $0x3  }
0x63: {  	s28 =	simm.s32 $0x0  }
0x64: {  	s29 =	simm.s32 $0xFFFF8000;
	s30 =	simm.s32 $0x0;
	s31 =	simm.s32 $0x0;
	[tilespmem:v5+s22+$0x0] =	vst.idx.msk $0xffff, v2  }
0x65: {  	[hbm4b:s4+s28] =	stream.linear.scatter [tilespmem:s22], [sflag:$0x1], $0x8000, $0x38;
	[tilespmem:$0x10200] =	vst v63  }
.LBB2_4:
0x66: {  	s0 =	sadd.s32 $0x8000, s29  }
0x67: {  	s1 =	sand.u32 $0x380, s31;
	s0 =	sand.u32 $0x6000, s0  }
0x68: {  	s0 =	sor.u32 s1, s0  }
0x69: {  	[tilespmem:s0+$0x8200] =	vst v0  }
0x6a: {  	[tilespmem:s0+$0x8210] =	vst v0  }
0x6b: {  	[tilespmem:s0+$0x8220] =	vst v0  }
0x6c: {  	[tilespmem:s0+$0x8230] =	vst v0  }
0x6d: {  	[tilespmem:s0+$0x8240] =	vst v0  }
0x6e: {  	[tilespmem:s0+$0x8250] =	vst v0  }
0x6f: {  	[tilespmem:s0+$0x8260] =	vst v0  }
0x70: {  	[tilespmem:s0+$0x8270] =	vst v0  }
0x71: {  	[tilespmem:s0+$0x8600] =	vst v0  }
0x72: {  	[tilespmem:s0+$0x8610] =	vst v0  }
0x73: {  	[tilespmem:s0+$0x8620] =	vst v0  }
0x74: {  	[tilespmem:s0+$0x8630] =	vst v0  }
0x75: {  	[tilespmem:s0+$0x8640] =	vst v0  }
0x76: {  	[tilespmem:s0+$0x8650] =	vst v0  }
0x77: {  	[tilespmem:s0+$0x8660] =	vst v0  }
0x78: {  	[tilespmem:s0+$0x8670] =	vst v0  }
0x79: {  	[tilespmem:s0+$0x8A00] =	vst v0  }
0x7a: {  	[tilespmem:s0+$0x8A10] =	vst v0  }
0x7b: {  	[tilespmem:s0+$0x8A20] =	vst v0  }
0x7c: {  	[tilespmem:s0+$0x8A30] =	vst v0  }
0x7d: {  	[tilespmem:s0+$0x8A40] =	vst v0  }
0x7e: {  	[tilespmem:s0+$0x8A50] =	vst v0  }
0x7f: {  	[tilespmem:s0+$0x8A60] =	vst v0  }
0x80: {  	[tilespmem:s0+$0x8A70] =	vst v0  }
0x81: {  	[tilespmem:s0+$0x8E00] =	vst v0  }
0x82: {  	[tilespmem:s0+$0x8E10] =	vst v0  }
0x83: {  	[tilespmem:s0+$0x8E20] =	vst v0  }
0x84: {  	[tilespmem:s0+$0x8E30] =	vst v0  }
0x85: {  	[tilespmem:s0+$0x8E40] =	vst v0  }
0x86: {  	[tilespmem:s0+$0x8E50] =	vst v0  }
0x87: {  	[tilespmem:s0+$0x8E60] =	vst v0  }
0x88: {  	[tilespmem:s0+$0x8E70] =	vst v0  }
0x89: {  	[tilespmem:s0+$0x9200] =	vst v0  }
0x8a: {  	[tilespmem:s0+$0x9210] =	vst v0  }
0x8b: {  	[tilespmem:s0+$0x9220] =	vst v0  }
0x8c: {  	[tilespmem:s0+$0x9230] =	vst v0  }
0x8d: {  	[tilespmem:s0+$0x9240] =	vst v0  }
0x8e: {  	[tilespmem:s0+$0x9250] =	vst v0  }
0x8f: {  	[tilespmem:s0+$0x9260] =	vst v0  }
0x90: {  	[tilespmem:s0+$0x9270] =	vst v0  }
0x91: {  	[tilespmem:s0+$0x9600] =	vst v0  }
0x92: {  	[tilespmem:s0+$0x9610] =	vst v0  }
0x93: {  	[tilespmem:s0+$0x9620] =	vst v0  }
0x94: {  	[tilespmem:s0+$0x9630] =	vst v0  }
0x95: {  	[tilespmem:s0+$0x9640] =	vst v0  }
0x96: {  	[tilespmem:s0+$0x9650] =	vst v0  }
0x97: {  	[tilespmem:s0+$0x9660] =	vst v0  }
0x98: {  	[tilespmem:s0+$0x9670] =	vst v0  }
0x99: {  	[tilespmem:s0+$0x9A00] =	vst v0  }
0x9a: {  	[tilespmem:s0+$0x9A10] =	vst v0  }
0x9b: {  	[tilespmem:s0+$0x9A20] =	vst v0  }
0x9c: {  	[tilespmem:s0+$0x9A30] =	vst v0  }
0x9d: {  	s1 =	sand.u32 $0x7, s28;
	[tilespmem:s0+$0x9A40] =	vst v0  }
0x9e: {  	s1 =	sshll.u32 s1, $0x7;
	[tilespmem:s0+$0x9A50] =	vst v0  }
0x9f: {  	[tilespmem:s0+$0x9A60] =	vst v0;
	s1 =	sadd.s32 s1, s30  }
0xa0: {  	[tilespmem:s0+$0x9A70] =	vst v0;
	s0 =	sor.u32 $0x1C00, s1  }
0xa1: {  	[tilespmem:s0+$0x8200] =	vst v0;
	s0 =	sor.u32 $0x1C10, s1  }
0xa2: {  	p0 =	sne.s32 s31, $0xF80;
	[tilespmem:s0+$0x8200] =	vst v0;
	s0 =	sor.u32 $0x1C20, s1  }
.Ltmp1:
0xa3: {  	[tilespmem:s0+$0x8200] =	vst v0;
	s0 =	sor.u32 $0x1C30, s1;
	(pc) =	sbr.rel @p0 .LBB2_4-.Ltmp1, $4  }
0xa4: {  	[tilespmem:s0+$0x8200] =	vst v0;
	s0 =	sor.u32 $0x1C40, s1  }
0xa5: {  	[tilespmem:s0+$0x8200] =	vst v0;
	s0 =	sor.u32 $0x1C50, s1  }
0xa6: {  	s29 =	sadd.s32 $0x400, s29;
	s1 =	sor.u32 $0x1C58, s1;
	[tilespmem:s0+$0x8200] =	vst v0  }
0xa7: {  	s31 =	sadd.s32 $0x80, s31;
	s28 =	sadd.s32 $0x1, s28;
	s30 =	sadd.s32 $0x400, s30;
	[tilespmem:s1+$0x8200] =	vst v0  }
0xa8: {  	v6 =	vld [tilespmem:$0x20];
	_ =	sdelay $0x4  }
0xa9: {  	v7 =	vshll.u32 v6, $0x3  }
0xaa: {  	v6 =	vand.u32 $0x7F, v6;
	v7 =	vand.u32 $0xFFFFFC00, v7  }
0xab: {  	v6 =	vor.u32 v6, v7  }
0xac: {  	v6 =	vadd.s32 v1, v6;
	_ =	sdelay $0x4  }
0xad: {  	[tilespmem:v6+s23+$0x0] =	vst.idx.msk $0xffff, v2  }
0xae: {  	v39 =	vld [tilespmem:$0x30];
	_ =	sdelay $0x4  }
0xaf: {  	v8 =	vshll.u32 v39, $0x3  }
0xb0: {  	v7 =	vand.u32 $0x7F, v39;
	v8 =	vand.u32 $0xFFFFFC00, v8  }
0xb1: {  	v7 =	vor.u32 v7, v8  }
0xb2: {  	v7 =	vadd.s32 v3, v7;
	_ =	sdelay $0x4  }
0xb3: {  	[tilespmem:v7+s23+$0x0] =	vst.idx.msk $0xffff, v2  }
0xb4: {  	[hbm4b:s5+s2] =	stream.linear.scatter [tilespmem:s23], [sflag:$0x2], $0x8000, $0x38;
	[tilespmem:$0x10200] =	vst v63  }
0xb5: {  	_ =	swait.ge [sflag:s24], $0x8000  }
0xb6: {  	[sflag:s24] =	ssyncset.done $0x0  }
0xb7: {  	[sflag:s24] =	ssyncadd.s32 $0xFFFF8000  }
0xb8: {  	[tilespmem:v4+s22+$0x0] =	vst.idx.msk $0xffff, v0  }
0xb9: {  	[tilespmem:v5+s22+$0x0] =	vst.idx.msk $0xffff, v0  }
0xba: {  	v4 =	vld [tilespmem:$0x40];
	_ =	sdelay $0x4  }
0xbb: {  	v5 =	vshll.u32 v4, $0x3  }
0xbc: {  	v4 =	vand.u32 $0x7F, v4;
	v5 =	vand.u32 $0xFFFFFC00, v5  }
0xbd: {  	v4 =	vor.u32 v4, v5  }
0xbe: {  	v4 =	vadd.s32 v1, v4;
	_ =	sdelay $0x4  }
0xbf: {  	[tilespmem:v4+s22+$0x0] =	vst.idx.msk $0xffff, v2  }
0xc0: {  	v5 =	vld [tilespmem:$0x50];
	_ =	sdelay $0x4  }
0xc1: {  	v40 =	vshll.u32 v5, $0x3  }
0xc2: {  	v5 =	vand.u32 $0x7F, v5;
	v8 =	vand.u32 $0xFFFFFC00, v40  }
0xc3: {  	v5 =	vor.u32 v5, v8  }
0xc4: {  	v5 =	vadd.s32 v3, v5;
	_ =	sdelay $0x4  }
0xc5: {  	[tilespmem:v5+s22+$0x0] =	vst.idx.msk $0xffff, v2  }
0xc6: {  	[hbm4b:s6+s2] =	stream.linear.scatter [tilespmem:s22], [sflag:$0x1], $0x8000, $0x38;
	[tilespmem:$0x10200] =	vst v63  }
0xc7: {  	_ =	swait.ge [sflag:s25], $0x8000  }
0xc8: {  	[sflag:s25] =	ssyncset.done $0x0  }
0xc9: {  	[sflag:s25] =	ssyncadd.s32 $0xFFFF8000  }
0xca: {  	[tilespmem:v6+s23+$0x0] =	vst.idx.msk $0xffff, v0  }
0xcb: {  	[tilespmem:v7+s23+$0x0] =	vst.idx.msk $0xffff, v0  }
0xcc: {  	v6 =	vld [tilespmem:$0x60];
	_ =	sdelay $0x4  }
0xcd: {  	v41 =	vshll.u32 v6, $0x3  }
0xce: {  	v6 =	vand.u32 $0x7F, v6;
	v7 =	vand.u32 $0xFFFFFC00, v41  }
0xcf: {  	v6 =	vor.u32 v6, v7  }
0xd0: {  	v6 =	vadd.s32 v1, v6;
	_ =	sdelay $0x4  }
0xd1: {  	[tilespmem:v6+s23+$0x0] =	vst.idx.msk $0xffff, v2  }
0xd2: {  	v42 =	vld [tilespmem:$0x70];
	_ =	sdelay $0x4  }
0xd3: {  	v43 =	vshll.u32 v42, $0x3  }
0xd4: {  	v7 =	vand.u32 $0x7F, v42;
	v8 =	vand.u32 $0xFFFFFC00, v43  }
0xd5: {  	v7 =	vor.u32 v7, v8  }
0xd6: {  	v7 =	vadd.s32 v3, v7;
	_ =	sdelay $0x4  }
0xd7: {  	[tilespmem:v7+s23+$0x0] =	vst.idx.msk $0xffff, v2  }
0xd8: {  	[hbm4b:s7+s2] =	stream.linear.scatter [tilespmem:s23], [sflag:$0x2], $0x8000, $0x38;
	[tilespmem:$0x10200] =	vst v63  }
0xd9: {  	_ =	swait.ge [sflag:s24], $0x8000  }
0xda: {  	[sflag:s24] =	ssyncset.done $0x0  }
0xdb: {  	[sflag:s24] =	ssyncadd.s32 $0xFFFF8000  }
0xdc: {  	[tilespmem:v4+s22+$0x0] =	vst.idx.msk $0xffff, v0  }
0xdd: {  	[tilespmem:v5+s22+$0x0] =	vst.idx.msk $0xffff, v0  }
0xde: {  	v4 =	vld [tilespmem:$0x80];
	_ =	sdelay $0x4  }
0xdf: {  	v5 =	vshll.u32 v4, $0x3  }
0xe0: {  	v4 =	vand.u32 $0x7F, v4;
	v5 =	vand.u32 $0xFFFFFC00, v5  }
0xe1: {  	v4 =	vor.u32 v4, v5  }
0xe2: {  	v4 =	vadd.s32 v1, v4;
	_ =	sdelay $0x4  }
0xe3: {  	[tilespmem:v4+s22+$0x0] =	vst.idx.msk $0xffff, v2  }
0xe4: {  	v5 =	vld [tilespmem:$0x90];
	_ =	sdelay $0x4  }
0xe5: {  	v44 =	vshll.u32 v5, $0x3  }
0xe6: {  	v5 =	vand.u32 $0x7F, v5;
	v8 =	vand.u32 $0xFFFFFC00, v44  }
0xe7: {  	v5 =	vor.u32 v5, v8  }
0xe8: {  	v5 =	vadd.s32 v3, v5;
	_ =	sdelay $0x4  }
0xe9: {  	[tilespmem:v5+s22+$0x0] =	vst.idx.msk $0xffff, v2  }
0xea: {  	[hbm4b:s8+s2] =	stream.linear.scatter [tilespmem:s22], [sflag:$0x1], $0x8000, $0x38;
	[tilespmem:$0x10200] =	vst v63  }
0xeb: {  	_ =	swait.ge [sflag:s25], $0x8000  }
0xec: {  	[sflag:s25] =	ssyncset.done $0x0  }
0xed: {  	[sflag:s25] =	ssyncadd.s32 $0xFFFF8000  }
0xee: {  	[tilespmem:v6+s23+$0x0] =	vst.idx.msk $0xffff, v0  }
0xef: {  	[tilespmem:v7+s23+$0x0] =	vst.idx.msk $0xffff, v0  }
0xf0: {  	v6 =	vld [tilespmem:$0xA0];
	_ =	sdelay $0x4  }
0xf1: {  	v45 =	vshll.u32 v6, $0x3  }
0xf2: {  	v6 =	vand.u32 $0x7F, v6;
	v7 =	vand.u32 $0xFFFFFC00, v45  }
0xf3: {  	v6 =	vor.u32 v6, v7  }
0xf4: {  	v6 =	vadd.s32 v1, v6;
	_ =	sdelay $0x4  }
0xf5: {  	[tilespmem:v6+s23+$0x0] =	vst.idx.msk $0xffff, v2  }
0xf6: {  	v46 =	vld [tilespmem:$0xB0];
	_ =	sdelay $0x4  }
0xf7: {  	v47 =	vshll.u32 v46, $0x3  }
0xf8: {  	v7 =	vand.u32 $0x7F, v46;
	v8 =	vand.u32 $0xFFFFFC00, v47  }
0xf9: {  	v7 =	vor.u32 v7, v8  }
0xfa: {  	v7 =	vadd.s32 v3, v7;
	_ =	sdelay $0x4  }
0xfb: {  	[tilespmem:v7+s23+$0x0] =	vst.idx.msk $0xffff, v2  }
0xfc: {  	[hbm4b:s9+s2] =	stream.linear.scatter [tilespmem:s23], [sflag:$0x2], $0x8000, $0x38;
	[tilespmem:$0x10200] =	vst v63  }
0xfd: {  	_ =	swait.ge [sflag:s24], $0x8000  }
0xfe: {  	[sflag:s24] =	ssyncset.done $0x0  }
0xff: {  	[sflag:s24] =	ssyncadd.s32 $0xFFFF8000  }
0x100: {  	[tilespmem:v4+s22+$0x0] =	vst.idx.msk $0xffff, v0  }
0x101: {  	[tilespmem:v5+s22+$0x0] =	vst.idx.msk $0xffff, v0  }
0x102: {  	v4 =	vld [tilespmem:$0xC0];
	_ =	sdelay $0x4  }
0x103: {  	v5 =	vshll.u32 v4, $0x3  }
0x104: {  	v4 =	vand.u32 $0x7F, v4;
	v5 =	vand.u32 $0xFFFFFC00, v5  }
0x105: {  	v4 =	vor.u32 v4, v5  }
0x106: {  	v4 =	vadd.s32 v1, v4;
	_ =	sdelay $0x4  }
0x107: {  	[tilespmem:v4+s22+$0x0] =	vst.idx.msk $0xffff, v2  }
0x108: {  	v5 =	vld [tilespmem:$0xD0];
	_ =	sdelay $0x4  }
0x109: {  	v48 =	vshll.u32 v5, $0x3  }
0x10a: {  	v5 =	vand.u32 $0x7F, v5;
	v8 =	vand.u32 $0xFFFFFC00, v48  }
0x10b: {  	v5 =	vor.u32 v5, v8  }
0x10c: {  	v5 =	vadd.s32 v3, v5;
	_ =	sdelay $0x4  }
0x10d: {  	[tilespmem:v5+s22+$0x0] =	vst.idx.msk $0xffff, v2  }
0x10e: {  	[hbm4b:s10+s2] =	stream.linear.scatter [tilespmem:s22], [sflag:$0x1], $0x8000, $0x38;
	[tilespmem:$0x10200] =	vst v63  }
0x10f: {  	_ =	swait.ge [sflag:s25], $0x8000  }
0x110: {  	[sflag:s25] =	ssyncset.done $0x0  }
0x111: {  	[sflag:s25] =	ssyncadd.s32 $0xFFFF8000  }
0x112: {  	[tilespmem:v6+s23+$0x0] =	vst.idx.msk $0xffff, v0  }
0x113: {  	[tilespmem:v7+s23+$0x0] =	vst.idx.msk $0xffff, v0  }
0x114: {  	v6 =	vld [tilespmem:$0xE0];
	_ =	sdelay $0x4  }
0x115: {  	v49 =	vshll.u32 v6, $0x3  }
0x116: {  	v6 =	vand.u32 $0x7F, v6;
	v7 =	vand.u32 $0xFFFFFC00, v49  }
0x117: {  	v6 =	vor.u32 v6, v7  }
0x118: {  	v6 =	vadd.s32 v1, v6;
	_ =	sdelay $0x4  }
0x119: {  	[tilespmem:v6+s23+$0x0] =	vst.idx.msk $0xffff, v2  }
0x11a: {  	v50 =	vld [tilespmem:$0xF0];
	_ =	sdelay $0x4  }
0x11b: {  	v51 =	vshll.u32 v50, $0x3  }
0x11c: {  	v7 =	vand.u32 $0x7F, v50;
	v8 =	vand.u32 $0xFFFFFC00, v51  }
0x11d: {  	v7 =	vor.u32 v7, v8  }
0x11e: {  	v7 =	vadd.s32 v3, v7;
	_ =	sdelay $0x4  }
0x11f: {  	[tilespmem:v7+s23+$0x0] =	vst.idx.msk $0xffff, v2  }
0x120: {  	[hbm4b:s11+s2] =	stream.linear.scatter [tilespmem:s23], [sflag:$0x2], $0x8000, $0x38;
	[tilespmem:$0x10200] =	vst v63  }
0x121: {  	_ =	swait.ge [sflag:s24], $0x8000  }
0x122: {  	[sflag:s24] =	ssyncset.done $0x0  }
0x123: {  	[sflag:s24] =	ssyncadd.s32 $0xFFFF8000  }
0x124: {  	[tilespmem:v4+s22+$0x0] =	vst.idx.msk $0xffff, v0  }
0x125: {  	[tilespmem:v5+s22+$0x0] =	vst.idx.msk $0xffff, v0  }
0x126: {  	v4 =	vld [tilespmem:$0x100];
	_ =	sdelay $0x4  }
0x127: {  	v5 =	vshll.u32 v4, $0x3  }
0x128: {  	v4 =	vand.u32 $0x7F, v4;
	v5 =	vand.u32 $0xFFFFFC00, v5  }
0x129: {  	v4 =	vor.u32 v4, v5  }
0x12a: {  	v4 =	vadd.s32 v1, v4;
	_ =	sdelay $0x4  }
0x12b: {  	[tilespmem:v4+s22+$0x0] =	vst.idx.msk $0xffff, v2  }
0x12c: {  	v5 =	vld [tilespmem:$0x110];
	_ =	sdelay $0x4  }
0x12d: {  	v52 =	vshll.u32 v5, $0x3  }
0x12e: {  	v5 =	vand.u32 $0x7F, v5;
	v8 =	vand.u32 $0xFFFFFC00, v52  }
0x12f: {  	v5 =	vor.u32 v5, v8  }
0x130: {  	v5 =	vadd.s32 v3, v5;
	_ =	sdelay $0x4  }
0x131: {  	[tilespmem:v5+s22+$0x0] =	vst.idx.msk $0xffff, v2  }
0x132: {  	[hbm4b:s12+s2] =	stream.linear.scatter [tilespmem:s22], [sflag:$0x1], $0x8000, $0x38;
	[tilespmem:$0x10200] =	vst v63  }
0x133: {  	_ =	swait.ge [sflag:s25], $0x8000  }
0x134: {  	[sflag:s25] =	ssyncset.done $0x0  }
0x135: {  	[sflag:s25] =	ssyncadd.s32 $0xFFFF8000  }
0x136: {  	[tilespmem:v6+s23+$0x0] =	vst.idx.msk $0xffff, v0  }
0x137: {  	[tilespmem:v7+s23+$0x0] =	vst.idx.msk $0xffff, v0  }
0x138: {  	v6 =	vld [tilespmem:$0x120];
	_ =	sdelay $0x4  }
0x139: {  	v53 =	vshll.u32 v6, $0x3  }
0x13a: {  	v6 =	vand.u32 $0x7F, v6;
	v7 =	vand.u32 $0xFFFFFC00, v53  }
0x13b: {  	v6 =	vor.u32 v6, v7  }
0x13c: {  	v6 =	vadd.s32 v1, v6;
	_ =	sdelay $0x4  }
0x13d: {  	[tilespmem:v6+s23+$0x0] =	vst.idx.msk $0xffff, v2  }
0x13e: {  	v54 =	vld [tilespmem:$0x130];
	_ =	sdelay $0x4  }
0x13f: {  	v55 =	vshll.u32 v54, $0x3  }
0x140: {  	v7 =	vand.u32 $0x7F, v54;
	v8 =	vand.u32 $0xFFFFFC00, v55  }
0x141: {  	v7 =	vor.u32 v7, v8  }
0x142: {  	v7 =	vadd.s32 v3, v7;
	_ =	sdelay $0x4  }
0x143: {  	[tilespmem:v7+s23+$0x0] =	vst.idx.msk $0xffff, v2  }
0x144: {  	[hbm4b:s13+s2] =	stream.linear.scatter [tilespmem:s23], [sflag:$0x2], $0x8000, $0x38;
	[tilespmem:$0x10200] =	vst v63  }
0x145: {  	_ =	swait.ge [sflag:s24], $0x8000  }
0x146: {  	[sflag:s24] =	ssyncset.done $0x0  }
0x147: {  	[sflag:s24] =	ssyncadd.s32 $0xFFFF8000  }
0x148: {  	[tilespmem:v4+s22+$0x0] =	vst.idx.msk $0xffff, v0  }
0x149: {  	[tilespmem:v5+s22+$0x0] =	vst.idx.msk $0xffff, v0  }
0x14a: {  	v4 =	vld [tilespmem:$0x140];
	_ =	sdelay $0x4  }
0x14b: {  	v5 =	vshll.u32 v4, $0x3  }
0x14c: {  	v4 =	vand.u32 $0x7F, v4;
	v5 =	vand.u32 $0xFFFFFC00, v5  }
0x14d: {  	v4 =	vor.u32 v4, v5  }
0x14e: {  	v4 =	vadd.s32 v1, v4;
	_ =	sdelay $0x4  }
0x14f: {  	[tilespmem:v4+s22+$0x0] =	vst.idx.msk $0xffff, v2  }
0x150: {  	v5 =	vld [tilespmem:$0x150];
	_ =	sdelay $0x4  }
0x151: {  	v56 =	vshll.u32 v5, $0x3  }
0x152: {  	v5 =	vand.u32 $0x7F, v5;
	v8 =	vand.u32 $0xFFFFFC00, v56  }
0x153: {  	v5 =	vor.u32 v5, v8  }
0x154: {  	v5 =	vadd.s32 v3, v5;
	_ =	sdelay $0x4  }
0x155: {  	[tilespmem:v5+s22+$0x0] =	vst.idx.msk $0xffff, v2  }
0x156: {  	[hbm4b:s14+s2] =	stream.linear.scatter [tilespmem:s22], [sflag:$0x1], $0x8000, $0x38;
	[tilespmem:$0x10200] =	vst v63  }
0x157: {  	_ =	swait.ge [sflag:s25], $0x8000  }
0x158: {  	[sflag:s25] =	ssyncset.done $0x0  }
0x159: {  	[sflag:s25] =	ssyncadd.s32 $0xFFFF8000  }
0x15a: {  	[tilespmem:v6+s23+$0x0] =	vst.idx.msk $0xffff, v0  }
0x15b: {  	[tilespmem:v7+s23+$0x0] =	vst.idx.msk $0xffff, v0  }
0x15c: {  	v6 =	vld [tilespmem:$0x160];
	_ =	sdelay $0x4  }
0x15d: {  	v57 =	vshll.u32 v6, $0x3  }
0x15e: {  	v6 =	vand.u32 $0x7F, v6;
	v7 =	vand.u32 $0xFFFFFC00, v57  }
0x15f: {  	v6 =	vor.u32 v6, v7  }
0x160: {  	v6 =	vadd.s32 v1, v6;
	_ =	sdelay $0x4  }
0x161: {  	[tilespmem:v6+s23+$0x0] =	vst.idx.msk $0xffff, v2  }
0x162: {  	v58 =	vld [tilespmem:$0x170];
	_ =	sdelay $0x4  }
0x163: {  	v59 =	vshll.u32 v58, $0x3  }
0x164: {  	v7 =	vand.u32 $0x7F, v58;
	v8 =	vand.u32 $0xFFFFFC00, v59  }
0x165: {  	v7 =	vor.u32 v7, v8  }
0x166: {  	v7 =	vadd.s32 v3, v7;
	_ =	sdelay $0x4  }
0x167: {  	[tilespmem:v7+s23+$0x0] =	vst.idx.msk $0xffff, v2  }
0x168: {  	[hbm4b:s15+s2] =	stream.linear.scatter [tilespmem:s23], [sflag:$0x2], $0x8000, $0x38;
	[tilespmem:$0x10200] =	vst v63  }
0x169: {  	_ =	swait.ge [sflag:s24], $0x8000  }
0x16a: {  	[sflag:s24] =	ssyncset.done $0x0  }
0x16b: {  	[sflag:s24] =	ssyncadd.s32 $0xFFFF8000  }
0x16c: {  	[tilespmem:v4+s22+$0x0] =	vst.idx.msk $0xffff, v0  }
0x16d: {  	[tilespmem:v5+s22+$0x0] =	vst.idx.msk $0xffff, v0  }
0x16e: {  	v4 =	vld [tilespmem:$0x180];
	_ =	sdelay $0x4  }
0x16f: {  	v5 =	vshll.u32 v4, $0x3  }
0x170: {  	v4 =	vand.u32 $0x7F, v4;
	v5 =	vand.u32 $0xFFFFFC00, v5  }
0x171: {  	v4 =	vor.u32 v4, v5  }
0x172: {  	v4 =	vadd.s32 v1, v4;
	_ =	sdelay $0x4  }
0x173: {  	[tilespmem:v4+s22+$0x0] =	vst.idx.msk $0xffff, v2  }
0x174: {  	v5 =	vld [tilespmem:$0x190];
	_ =	sdelay $0x4  }
0x175: {  	v60 =	vshll.u32 v5, $0x3  }
0x176: {  	v5 =	vand.u32 $0x7F, v5;
	v8 =	vand.u32 $0xFFFFFC00, v60  }
0x177: {  	v5 =	vor.u32 v5, v8  }
0x178: {  	v5 =	vadd.s32 v3, v5;
	_ =	sdelay $0x4  }
0x179: {  	[tilespmem:v5+s22+$0x0] =	vst.idx.msk $0xffff, v2  }
0x17a: {  	[hbm4b:s16+s2] =	stream.linear.scatter [tilespmem:s22], [sflag:$0x1], $0x8000, $0x38;
	[tilespmem:$0x10200] =	vst v63  }
0x17b: {  	_ =	swait.ge [sflag:s25], $0x8000  }
0x17c: {  	[sflag:s25] =	ssyncset.done $0x0  }
0x17d: {  	[sflag:s25] =	ssyncadd.s32 $0xFFFF8000  }
0x17e: {  	[tilespmem:v6+s23+$0x0] =	vst.idx.msk $0xffff, v0  }
0x17f: {  	[tilespmem:v7+s23+$0x0] =	vst.idx.msk $0xffff, v0  }
0x180: {  	v6 =	vld [tilespmem:$0x1A0];
	_ =	sdelay $0x4  }
0x181: {  	v61 =	vshll.u32 v6, $0x3  }
0x182: {  	v6 =	vand.u32 $0x7F, v6;
	v7 =	vand.u32 $0xFFFFFC00, v61  }
0x183: {  	v6 =	vor.u32 v6, v7  }
0x184: {  	v6 =	vadd.s32 v1, v6;
	_ =	sdelay $0x4  }
0x185: {  	[tilespmem:v6+s23+$0x0] =	vst.idx.msk $0xffff, v2  }
0x186: {  	v62 =	vld [tilespmem:$0x1B0];
	_ =	sdelay $0x4  }
0x187: {  	v63 =	vshll.u32 v62, $0x3  }
0x188: {  	v7 =	vand.u32 $0x7F, v62;
	v8 =	vand.u32 $0xFFFFFC00, v63  }
0x189: {  	v7 =	vor.u32 v7, v8  }
0x18a: {  	v7 =	vadd.s32 v3, v7;
	_ =	sdelay $0x4  }
0x18b: {  	[tilespmem:v7+s23+$0x0] =	vst.idx.msk $0xffff, v2  }
0x18c: {  	[hbm4b:s17+s2] =	stream.linear.scatter [tilespmem:s23], [sflag:$0x2], $0x8000, $0x38;
	[tilespmem:$0x10200] =	vst v63  }
0x18d: {  	_ =	swait.ge [sflag:s24], $0x8000  }
0x18e: {  	[sflag:s24] =	ssyncset.done $0x0  }
0x18f: {  	[sflag:s24] =	ssyncadd.s32 $0xFFFF8000  }
0x190: {  	[tilespmem:v4+s22+$0x0] =	vst.idx.msk $0xffff, v0  }
0x191: {  	[tilespmem:v5+s22+$0x0] =	vst.idx.msk $0xffff, v0  }
0x192: {  	v4 =	vld [tilespmem:$0x1C0];
	_ =	sdelay $0x4  }
0x193: {  	v5 =	vshll.u32 v4, $0x3  }
0x194: {  	v4 =	vand.u32 $0x7F, v4;
	v5 =	vand.u32 $0xFFFFFC00, v5  }
0x195: {  	v4 =	vor.u32 v4, v5  }
0x196: {  	v4 =	vadd.s32 v1, v4;
	_ =	sdelay $0x4  }
0x197: {  	[tilespmem:v4+s22+$0x0] =	vst.idx.msk $0xffff, v2  }
0x198: {  	v4 =	vld [tilespmem:$0x1D0];
	_ =	sdelay $0x4  }
0x199: {  	v5 =	vshll.u32 v4, $0x3  }
0x19a: {  	v4 =	vand.u32 $0x7F, v4;
	v5 =	vand.u32 $0xFFFFFC00, v5  }
0x19b: {  	v4 =	vor.u32 v4, v5  }
0x19c: {  	v4 =	vadd.s32 v3, v4;
	_ =	sdelay $0x4  }
0x19d: {  	[tilespmem:v4+s22+$0x0] =	vst.idx.msk $0xffff, v2  }
0x19e: {  	[hbm4b:s18+s2] =	stream.linear.scatter [tilespmem:s22], [sflag:$0x1], $0x8000, $0x38;
	[tilespmem:$0x10200] =	vst v63  }
0x19f: {  	_ =	swait.ge [sflag:s25], $0x8000  }
0x1a0: {  	[sflag:s25] =	ssyncset.done $0x0  }
0x1a1: {  	[sflag:s25] =	ssyncadd.s32 $0xFFFF8000  }
0x1a2: {  	[tilespmem:v6+s23+$0x0] =	vst.idx.msk $0xffff, v0  }
0x1a3: {  	[tilespmem:v7+s23+$0x0] =	vst.idx.msk $0xffff, v0  }
0x1a4: {  	v4 =	vld [tilespmem:$0x1E0];
	_ =	sdelay $0x4  }
0x1a5: {  	v5 =	vshll.u32 v4, $0x3  }
0x1a6: {  	v4 =	vand.u32 $0x7F, v4;
	v5 =	vand.u32 $0xFFFFFC00, v5  }
0x1a7: {  	v4 =	vor.u32 v4, v5  }
0x1a8: {  	v4 =	vadd.s32 v1, v4;
	_ =	sdelay $0x4  }
0x1a9: {  	[tilespmem:v4+s23+$0x0] =	vst.idx.msk $0xffff, v2  }
0x1aa: {  	v4 =	vld [tilespmem:$0x1F0];
	_ =	sdelay $0x4  }
0x1ab: {  	v5 =	vshll.u32 v4, $0x3  }
0x1ac: {  	v4 =	vand.u32 $0x7F, v4;
	v5 =	vand.u32 $0xFFFFFC00, v5  }
0x1ad: {  	v4 =	vor.u32 v4, v5  }
0x1ae: {  	v4 =	vadd.s32 v3, v4;
	_ =	sdelay $0x4  }
0x1af: {  	s26 =	sadd.s32 $0x1, s26;
	[tilespmem:v4+s23+$0x0] =	vst.idx.msk $0xffff, v2  }
0x1b0: {  	[hbm4b:s19+s2] =	stream.linear.scatter [tilespmem:s23], [sflag:$0x2], $0x8000, $0x38;
	[tilespmem:$0x10200] =	vst v63  }
0x1b1: {  	p0 =	sne.s32 s26, s20;
	_ =	swait.ge [sflag:s24], $0x8000  }
.Ltmp2:
0x1b2: {  	[sflag:s24] =	ssyncset.done $0x0;
	(pc) =	sbr.rel @p0 .LBB2_1-.Ltmp2, $4  }
0x1b3: {  	[sflag:s24] =	ssyncadd.s32 $0xFFFF8000  }
0x1b4: {  	_ =	swait.ge [sflag:s25], $0x8000  }
0x1b5: {  	[sflag:s25] =	ssyncset.done $0x0  }
0x1b6: {  	[sflag:s25] =	ssyncadd.s32 $0xFFFF8000  }
0x1b7: {  	_ =	sfence.sel $0x180000  }
0x1b8: {  	[bflag:$0x0] =	sbarrier.arrive $0xFFFF  }
0x1b9: {  	_ =	strace $0x90000047  }
0x1ba: {  	s0 =	stileid.u32;
	[bflag:$0x2] =	sbarrier.arrive $0xFFFF  }
0x1bb: {  	p0 =	sne.s32 s0, $0x0;
	s0 =	rddreg [dreg:$0x2]  }
0x1bc: {  	s0 =	sadd.s32 @!p0 $0x100000, s0  }
0x1bd: {  	[sflag:s0] =	ssyncadd.tile.s32 @!p0 $0x1;
	_ =	shalt  }
.Lfunc_end2:
_tile_overlayer_lowered:
.L_overlay_start_2:
0x1be: {  	(tag) =	ssettag $0x2  }
0x1bf: {  	s0 =	rddreg [dreg:$0x0];
	s2 =	stileid.u32  }
0x1c0: {  	s1 =	rddreg [dreg:$0x1];
	p0 =	sne.s32 s2, $0x0  }
0x1c1: {  	s3 =	rddreg [dreg:$0x2];
	[bflag:$0x3] =	sbarrier.arrive $0xFFFF;
	s2 =	simm.s32 @!p0 $0x1C03  }
0x1c2: {  	[timem:s3], [sflag:s2] =	dma.local @!p0 [hbm:s0], s1  }
0x1c3: {  	s0 =	simm.s32 @!p0 $0x3  }
0x1c4: {  	_ =	swait.ge @!p0 [sflag:s0], s1  }
0x1c5: {  	s1 =	ssub.s32 @!p0 $0x0, s1;
	[sflag:s0] =	ssyncset.done @!p0 $0x0  }
0x1c6: {  	[sflag:s0] =	ssyncadd.s32 @!p0 s1  }
0x1c7: {  	[bflag:$0x3] =	sbarrier.arrive $0xFFFF  }
0x1c8: {  	_ =	shalt  }

</sc_bundles>
